<compile_context>
chip_gen: v7x
topology: tpu7x:2x2x1
jax: 0.10.2.dev20260603
libtpu: 0.0.44.dev20260713+nightly
codegen_flags: <defaults>
</compile_context>

<pallas_src>
import jax
import jax.numpy as jnp
from jax import lax
from jax.experimental import pallas as pl
from jax.experimental.pallas import tpu as pltpu
from jax.experimental.pallas import tpu_sc as plsc

N = 10000
E = 320000
D = 128
G = 3

NPAD = 10016
QW = 64
NQ = 6
EPAD = 327680
CHUNK = 128
NSC = 2
NTILE = 16
PASSES = NQ // NSC
CHUNKS_PER_TILE = EPAD // (NTILE * CHUNK)
COPY_ROWS = 632
DW = 16
L = 16

R1 = 2504
R3 = 2000


def _p1_body(x_ref, w_ref, b_ref, y_ref, c_ref):
    x = x_ref[...]
    w = w_ref[...]
    b = b_ref[...]
    s = lax.dot_general(x, w, (((1,), (1,)), ((), ())),
                        preferred_element_type=jnp.float32) + b
    s = s - jnp.max(s, axis=1, keepdims=True)
    e = jnp.exp(s)
    coeff = e / jnp.sum(e, axis=1, keepdims=True)
    c_ref[...] = coeff
    for q in range(NQ):
        g, h = q // 2, q % 2
        y_ref[q] = x[:, h * QW:(h + 1) * QW] * coeff[:, g:g + 1]


def _sc_body(ycat, gidx, dste, zrows, zdeg, ones_in,
             sfeat, sdeg, acc, degacc, ibuf, dbuf, rbuf, onesbuf, gsem):
    c = lax.axis_index("c")
    s = lax.axis_index("s")
    rows0 = pl.multiple_of(jnp.minimum(s * COPY_ROWS, NPAD - COPY_ROWS), 8)
    pltpu.sync_copy(zdeg, degacc.at[pl.ds(rows0, COPY_ROWS)])
    pltpu.sync_copy(ones_in, onesbuf)
    ebase = s * (CHUNKS_PER_TILE * CHUNK)

    for p in range(PASSES):
        q = c * PASSES + p
        pltpu.sync_copy(zrows, acc.at[pl.ds(rows0, COPY_ROWS)])
        plsc.subcore_barrier()

        def step(j, carry, p=p, q=q):
            off = pl.multiple_of(ebase + j * CHUNK, CHUNK)
            pltpu.sync_copy(gidx.at[q, pl.ds(off, CHUNK)], ibuf)
            pltpu.sync_copy(dste.at[pl.ds(off, CHUNK)], dbuf.at[0])
            pltpu.async_copy(ycat.at[ibuf], rbuf, gsem).wait()
            pltpu.sync_copy(rbuf, acc.at[pl.ds(0, CHUNK)])
            return carry

        lax.fori_loop(0, CHUNKS_PER_TILE, step, 0)
        plsc.subcore_barrier()
        pltpu.sync_copy(acc.at[pl.ds(rows0, COPY_ROWS)],
                        sfeat.at[q, pl.ds(rows0, COPY_ROWS)])
        plsc.subcore_barrier()

    @pl.when(c == 0)
    def _():
        pltpu.sync_copy(degacc.at[pl.ds(rows0, COPY_ROWS)],
                        sdeg.at[pl.ds(rows0, COPY_ROWS)])


def _p3_body(s_ref, d_ref, c_ref, o_ref):
    co = c_ref[...]
    deg = d_ref[...][:, 0:1]
    g0 = jnp.concatenate([s_ref[0], s_ref[1]], axis=1)
    g1 = jnp.concatenate([s_ref[2], s_ref[3]], axis=1)
    g2 = jnp.concatenate([s_ref[4], s_ref[5]], axis=1)
    acc = (co[:, 0:1] * g0 + co[:, 1:2] * g1 + co[:, 2:3] * g2)
    o_ref[...] = acc / jnp.clip(deg, 1.0)


def kernel(node_feature, edge_index, W, b):
    x = node_feature.astype(jnp.float32)
    ei = edge_index.astype(jnp.int32)
    xpad = jnp.pad(x, ((0, NPAD - N), (0, 0)))
    src = jnp.concatenate([ei[0], jnp.full((EPAD - E,), N, jnp.int32)])
    dst = jnp.concatenate([ei[1], jnp.full((EPAD - E,), N, jnp.int32)])
    gidx = src[None, :] + (jnp.arange(NQ, dtype=jnp.int32) * NPAD)[:, None]
    zrows = jnp.zeros((COPY_ROWS, QW), jnp.float32)
    zdeg = jnp.zeros((COPY_ROWS, DW), jnp.float32)
    ones_in = jnp.ones((L, DW), jnp.float32)

    ycat, coeff = pl.pallas_call(
        _p1_body,
        grid=(NPAD // R1,),
        in_specs=[
            pl.BlockSpec((R1, D), lambda i: (i, 0)),
            pl.BlockSpec((G, D), lambda i: (0, 0)),
            pl.BlockSpec((1, G), lambda i: (0, 0)),
        ],
        out_specs=[
            pl.BlockSpec((NQ, R1, QW), lambda i: (0, i, 0)),
            pl.BlockSpec((R1, G), lambda i: (i, 0)),
        ],
        out_shape=[
            jax.ShapeDtypeStruct((NQ, NPAD, QW), jnp.float32),
            jax.ShapeDtypeStruct((NPAD, G), jnp.float32),
        ],
    )(xpad, W.astype(jnp.float32), b.astype(jnp.float32).reshape(1, G))

    mesh = plsc.VectorSubcoreMesh(core_axis_name="c", subcore_axis_name="s")
    sfeat, sdeg = pl.kernel(
        _sc_body,
        out_type=[
            jax.ShapeDtypeStruct((NQ, NPAD, QW), jnp.float32),
            jax.ShapeDtypeStruct((NPAD, DW), jnp.float32),
        ],
        mesh=mesh,
        compiler_params=pltpu.CompilerParams(use_tc_tiling_on_sc=False),
        scratch_types=[
            pltpu.VMEM_SHARED((NPAD, QW), jnp.float32),
            pltpu.VMEM_SHARED((NPAD, DW), jnp.float32),
            pltpu.VMEM((CHUNK,), jnp.int32),
            pltpu.VMEM((1, CHUNK), jnp.int32),
            pltpu.VMEM((CHUNK, QW), jnp.float32),
            pltpu.VMEM((L, DW), jnp.float32),
            pltpu.SemaphoreType.DMA,
        ],
    )(ycat.reshape(NQ * NPAD, QW), gidx, dst, zrows, zdeg, ones_in)

    out = pl.pallas_call(
        _p3_body,
        grid=(N // R3,),
        in_specs=[
            pl.BlockSpec((NQ, R3, QW), lambda i: (0, i, 0)),
            pl.BlockSpec((R3, DW), lambda i: (i, 0)),
            pl.BlockSpec((R3, G), lambda i: (i, 0)),
        ],
        out_specs=pl.BlockSpec((R3, D), lambda i: (i, 0)),
        out_shape=jax.ShapeDtypeStruct((N, D), jnp.float32),
    )(sfeat, sdeg, coeff)
    return out

# --- scband reference (transcript-rebuilt; emitter-appended) ---
"""Pipeline reference for scband-linear-grouping-37297495998973 (READ-ONLY COPY).

The authoritative reference and input builder live on the scoring server;
editing this copy changes nothing except your own understanding.
"""

import jax, jax.numpy as jnp
import numpy as np

N = 10000
E = 320000
D = 128
G = 3
T = 1.0


def setup_inputs(seed: int = 0) -> dict:
    key = jax.random.key(seed)
    k1, k2, k3, k4 = jax.random.split(key, 4)
    node_feature = jax.random.normal(k1, (N, D), dtype=jnp.float32)
    edge_index = jax.random.randint(k2, (2, E), 0, N).astype(jnp.int64)
    # Linear(embed_dim=D, num_groups=G): weight [G, D], bias [G]
    bound = 1.0 / np.sqrt(D)
    W = jax.random.uniform(k3, (G, D), minval=-bound, maxval=bound, dtype=jnp.float32)
    b = jax.random.uniform(k4, (G,), minval=-bound, maxval=bound, dtype=jnp.float32)
    return {"node_feature": node_feature, "edge_index": edge_index, "W": W, "b": b}


def reference(node_feature, edge_index, W, b):
    # fc + softmax grouping
    unnormalized_score = node_feature @ W.T + b            # [N, G]
    incidence_coeff = jax.nn.softmax(unnormalized_score / T, axis=1)  # [N, G]
    # weighted per-node per-group features
    weighted_individual_feat = node_feature[:, None, :] * incidence_coeff[:, :, None]  # [N, G, D]
    src = edge_index[0]
    dst = edge_index[1]
    # message: gather src weighted features; reduce: mean over mailbox (in-neighbors)
    msgs = weighted_individual_feat[src]                   # [E, G, D]
    summed = jax.ops.segment_sum(msgs, dst, num_segments=N)  # [N, G, D]
    deg = jax.ops.segment_sum(jnp.ones((E,), dtype=jnp.float32), dst, num_segments=N)  # [N]
    group_feat = summed / jnp.clip(deg, 1.0)[:, None, None]  # [N, G, D] (zero-in-degree nodes stay 0, matching DGL)
    weighted_group_feat = (group_feat * incidence_coeff[:, :, None]).sum(axis=1)  # [N, D]
    return weighted_group_feat

if __name__ == "__main__":
    import jax
    _d = setup_inputs()
    print(jax.jit(kernel)(*tuple(_d.values())))

</pallas_src>

<mosaic_0001>
#map = affine_map<(d0, d1) -> (0, 0)>
#map1 = affine_map<(d0, d1) -> (0)>
#map2 = affine_map<(d0, d1) -> (0, 0, 0)>
module attributes {stable_mosaic.version = 14 : i64} {
  func.func @_sc_body(%arg0: i32, %arg1: i32, %arg2: memref<60096x64xf32, #tpu.memory_space<hbm>>, %arg3: memref<6x327680xi32, #tpu.memory_space<hbm>>, %arg4: memref<327680xi32, #tpu.memory_space<hbm>>, %arg5: memref<632x64xf32, #tpu.memory_space<hbm>>, %arg6: memref<632x16xf32, #tpu.memory_space<hbm>>, %arg7: memref<16x16xf32, #tpu.memory_space<hbm>>, %arg8: memref<6x10016x64xf32, #tpu.memory_space<hbm>>, %arg9: memref<10016x16xf32, #tpu.memory_space<hbm>>, %arg10: memref<10016x64xf32, #tpu.memory_space<vmem_shared>>, %arg11: memref<10016x16xf32, #tpu.memory_space<vmem_shared>>, %arg12: memref<128xi32, #tpu.memory_space<vmem>>, %arg13: memref<1x128xi32, #tpu.memory_space<vmem>>, %arg14: memref<128x64xf32, #tpu.memory_space<vmem>>, %arg15: memref<16x16xf32, #tpu.memory_space<vmem>>, %arg16: memref<!tpu.dma_semaphore, #tpu.memory_space<semaphore_mem>>) attributes {dimension_semantics = [#tpu.dimension_semantics<core_parallel>, #tpu.dimension_semantics<subcore_parallel>], iteration_bounds = array<i64: 2, 16>, scalar_prefetch = 0 : i64, scratch_operands = 7 : i64, tpu.core_type = #tpu.core_type<sc_vector_subcore>, window_params = [{transform_indices = #map}, {transform_indices = #map}, {transform_indices = #map1}, {transform_indices = #map}, {transform_indices = #map}, {transform_indices = #map}, {transform_indices = #map2}, {transform_indices = #map}]} {
    %mul3A = arith.constant 632 : i32
    %mul3A_0 = arith.muli %arg1, %mul3A : i32
    %min3A = arith.constant 9384 : i32
    %min3A_1 = arith.minsi %mul3A_0, %min3A : i32
    %multiple_of3A = tpu.assume_multiple %min3A_1, 8 : i32
    "tpu.region"() ({
      %run_scoped3A = tpu.sem_alloc : memref<!tpu.dma_semaphore, #tpu.memory_space<semaphore_mem>>
      %dma_start3A = arith.constant 0 : i32
      %dma_start3A_42 = tpu.memref_slice %arg11[%multiple_of3A, %dma_start3A] : memref<10016x16xf32, #tpu.memory_space<vmem_shared>> -> memref<632x16xf32, #tpu.memory_space<vmem_shared>>
      tpu.enqueue_dma source(%arg6 : memref<632x16xf32, #tpu.memory_space<hbm>>) target(%dma_start3A_42 : memref<632x16xf32, #tpu.memory_space<vmem_shared>>) target_semaphore(%run_scoped3A : memref<!tpu.dma_semaphore, #tpu.memory_space<semaphore_mem>>)
      %dma_wait3A = arith.constant 0 : i32
      %dma_wait3A_43 = tpu.memref_slice %arg11[%multiple_of3A, %dma_wait3A] : memref<10016x16xf32, #tpu.memory_space<vmem_shared>> -> memref<632x16xf32, #tpu.memory_space<vmem_shared>>
      tpu.wait_dma2 semaphore(%run_scoped3A : memref<!tpu.dma_semaphore, #tpu.memory_space<semaphore_mem>>) src(%arg6 : memref<632x16xf32, #tpu.memory_space<hbm>>) dst(%dma_wait3A_43 : memref<632x16xf32, #tpu.memory_space<vmem_shared>>)
      tpu.yield
    }) : () -> ()
    "tpu.region"() ({
      %run_scoped3A = tpu.sem_alloc : memref<!tpu.dma_semaphore, #tpu.memory_space<semaphore_mem>>
      tpu.enqueue_dma source(%arg7 : memref<16x16xf32, #tpu.memory_space<hbm>>) target(%arg15 : memref<16x16xf32, #tpu.memory_space<vmem>>) target_semaphore(%run_scoped3A : memref<!tpu.dma_semaphore, #tpu.memory_space<semaphore_mem>>)
      tpu.wait_dma2 semaphore(%run_scoped3A : memref<!tpu.dma_semaphore, #tpu.memory_space<semaphore_mem>>) src(%arg7 : memref<16x16xf32, #tpu.memory_space<hbm>>) dst(%arg15 : memref<16x16xf32, #tpu.memory_space<vmem>>)
      tpu.yield
    }) : () -> ()
    %mul3A_2 = arith.constant 20480 : i32
    %mul3A_3 = arith.muli %arg1, %mul3A_2 : i32
    %mul3A_4 = arith.constant 3 : i32
    %mul3A_5 = arith.muli %arg0, %mul3A_4 : i32
    %add3A = arith.constant 0 : i32
    %add3A_6 = arith.addi %mul3A_5, %add3A : i32
    "tpu.region"() ({
      %run_scoped3A = tpu.sem_alloc : memref<!tpu.dma_semaphore, #tpu.memory_space<semaphore_mem>>
      %dma_start3A = arith.constant 0 : i32
      %dma_start3A_42 = tpu.memref_slice %arg10[%multiple_of3A, %dma_start3A] : memref<10016x64xf32, #tpu.memory_space<vmem_shared>> -> memref<632x64xf32, #tpu.memory_space<vmem_shared>>
      tpu.enqueue_dma source(%arg5 : memref<632x64xf32, #tpu.memory_space<hbm>>) target(%dma_start3A_42 : memref<632x64xf32, #tpu.memory_space<vmem_shared>>) target_semaphore(%run_scoped3A : memref<!tpu.dma_semaphore, #tpu.memory_space<semaphore_mem>>)
      %dma_wait3A = arith.constant 0 : i32
      %dma_wait3A_43 = tpu.memref_slice %arg10[%multiple_of3A, %dma_wait3A] : memref<10016x64xf32, #tpu.memory_space<vmem_shared>> -> memref<632x64xf32, #tpu.memory_space<vmem_shared>>
      tpu.wait_dma2 semaphore(%run_scoped3A : memref<!tpu.dma_semaphore, #tpu.memory_space<semaphore_mem>>) src(%arg5 : memref<632x64xf32, #tpu.memory_space<hbm>>) dst(%dma_wait3A_43 : memref<632x64xf32, #tpu.memory_space<vmem_shared>>)
      tpu.yield
    }) : () -> ()
    %barrier3A = arith.constant 0 : index
    tpu.barrier barrier_id(%barrier3A)
    %scan3A = arith.constant 0 : i32
    %scan3A_7 = arith.constant 0 : i32
    %scan3A_8 = arith.constant 160 : i32
    %scan3A_9 = arith.addi %scan3A_7, %scan3A_8 : i32
    %scan3A_10 = arith.constant 1 : i32
    scf.for %scan3A_42 = %scan3A_7 to %scan3A_9 step %scan3A_10  : i32 {
      %mul3A_43 = arith.constant 128 : i32
      %mul3A_44 = arith.muli %scan3A_42, %mul3A_43 : i32
      %add3A_45 = arith.addi %mul3A_3, %mul3A_44 : i32
      %multiple_of3A_46 = tpu.assume_multiple %add3A_45, 128 : i32
      "tpu.region"() ({
        %run_scoped3A_51 = tpu.sem_alloc : memref<!tpu.dma_semaphore, #tpu.memory_space<semaphore_mem>>
        %dma_start3A_52 = tpu.memref_slice %arg3[%add3A_6, %multiple_of3A_46] : memref<6x327680xi32, #tpu.memory_space<hbm>> -> memref<1x128xi32, #tpu.memory_space<hbm>>
        %dma_start3A_53 = tpu.memref_squeeze %dma_start3A_52 : memref<1x128xi32, #tpu.memory_space<hbm>> -> memref<128xi32, #tpu.memory_space<hbm>>
        %dma_start3A_54 = tpu.memref_slice %arg3[%add3A_6, %multiple_of3A_46] : memref<6x327680xi32, #tpu.memory_space<hbm>> -> memref<1x128xi32, #tpu.memory_space<hbm>>
        %dma_start3A_55 = tpu.memref_squeeze %dma_start3A_54 : memref<1x128xi32, #tpu.memory_space<hbm>> -> memref<128xi32, #tpu.memory_space<hbm>>
        tpu.enqueue_dma source(%dma_start3A_55 : memref<128xi32, #tpu.memory_space<hbm>>) target(%arg12 : memref<128xi32, #tpu.memory_space<vmem>>) target_semaphore(%run_scoped3A_51 : memref<!tpu.dma_semaphore, #tpu.memory_space<semaphore_mem>>)
        %dma_wait3A_56 = tpu.memref_slice %arg3[%add3A_6, %multiple_of3A_46] : memref<6x327680xi32, #tpu.memory_space<hbm>> -> memref<1x128xi32, #tpu.memory_space<hbm>>
        %dma_wait3A_57 = tpu.memref_squeeze %dma_wait3A_56 : memref<1x128xi32, #tpu.memory_space<hbm>> -> memref<128xi32, #tpu.memory_space<hbm>>
        %dma_wait3A_58 = tpu.memref_slice %arg3[%add3A_6, %multiple_of3A_46] : memref<6x327680xi32, #tpu.memory_space<hbm>> -> memref<1x128xi32, #tpu.memory_space<hbm>>
        %dma_wait3A_59 = tpu.memref_squeeze %dma_wait3A_58 : memref<1x128xi32, #tpu.memory_space<hbm>> -> memref<128xi32, #tpu.memory_space<hbm>>
        tpu.wait_dma2 semaphore(%run_scoped3A_51 : memref<!tpu.dma_semaphore, #tpu.memory_space<semaphore_mem>>) src(%dma_wait3A_59 : memref<128xi32, #tpu.memory_space<hbm>>) dst(%arg12 : memref<128xi32, #tpu.memory_space<vmem>>)
        tpu.yield
      }) : () -> ()
      %run_scoped3A = arith.constant 0 : i32
      "tpu.region"() ({
        %run_scoped3A_51 = tpu.sem_alloc : memref<!tpu.dma_semaphore, #tpu.memory_space<semaphore_mem>>
        %dma_start3A_52 = arith.constant 0 : i32
        %dma_start3A_53 = tpu.memref_slice %arg13[%run_scoped3A, %dma_start3A_52] : memref<1x128xi32, #tpu.memory_space<vmem>> -> memref<1x128xi32, #tpu.memory_space<vmem>>
        %dma_start3A_54 = tpu.memref_squeeze %dma_start3A_53 : memref<1x128xi32, #tpu.memory_space<vmem>> -> memref<128xi32, #tpu.memory_space<vmem>>
        %dma_start3A_55 = tpu.memref_slice %arg4[%multiple_of3A_46] : memref<327680xi32, #tpu.memory_space<hbm>> -> memref<128xi32, #tpu.memory_space<hbm>>
        %dma_start3A_56 = arith.constant 0 : i32
        %dma_start3A_57 = tpu.memref_slice %arg13[%run_scoped3A, %dma_start3A_56] : memref<1x128xi32, #tpu.memory_space<vmem>> -> memref<1x128xi32, #tpu.memory_space<vmem>>
        %dma_start3A_58 = tpu.memref_squeeze %dma_start3A_57 : memref<1x128xi32, #tpu.memory_space<vmem>> -> memref<128xi32, #tpu.memory_space<vmem>>
        %dma_start3A_59 = tpu.memref_slice %arg4[%multiple_of3A_46] : memref<327680xi32, #tpu.memory_space<hbm>> -> memref<128xi32, #tpu.memory_space<hbm>>
        tpu.enqueue_dma source(%dma_start3A_59 : memref<128xi32, #tpu.memory_space<hbm>>) target(%dma_start3A_58 : memref<128xi32, #tpu.memory_space<vmem>>) target_semaphore(%run_scoped3A_51 : memref<!tpu.dma_semaphore, #tpu.memory_space<semaphore_mem>>)
        %dma_wait3A_60 = arith.constant 0 : i32
        %dma_wait3A_61 = tpu.memref_slice %arg13[%run_scoped3A, %dma_wait3A_60] : memref<1x128xi32, #tpu.memory_space<vmem>> -> memref<1x128xi32, #tpu.memory_space<vmem>>
        %dma_wait3A_62 = tpu.memref_squeeze %dma_wait3A_61 : memref<1x128xi32, #tpu.memory_space<vmem>> -> memref<128xi32, #tpu.memory_space<vmem>>
        %dma_wait3A_63 = tpu.memref_slice %arg4[%multiple_of3A_46] : memref<327680xi32, #tpu.memory_space<hbm>> -> memref<128xi32, #tpu.memory_space<hbm>>
        %dma_wait3A_64 = arith.constant 0 : i32
        %dma_wait3A_65 = tpu.memref_slice %arg13[%run_scoped3A, %dma_wait3A_64] : memref<1x128xi32, #tpu.memory_space<vmem>> -> memref<1x128xi32, #tpu.memory_space<vmem>>
        %dma_wait3A_66 = tpu.memref_squeeze %dma_wait3A_65 : memref<1x128xi32, #tpu.memory_space<vmem>> -> memref<128xi32, #tpu.memory_space<vmem>>
        %dma_wait3A_67 = tpu.memref_slice %arg4[%multiple_of3A_46] : memref<327680xi32, #tpu.memory_space<hbm>> -> memref<128xi32, #tpu.memory_space<hbm>>
        tpu.wait_dma2 semaphore(%run_scoped3A_51 : memref<!tpu.dma_semaphore, #tpu.memory_space<semaphore_mem>>) src(%dma_wait3A_67 : memref<128xi32, #tpu.memory_space<hbm>>) dst(%dma_wait3A_66 : memref<128xi32, #tpu.memory_space<vmem>>)
        tpu.yield
      }) : () -> ()
      %dma_start3A = arith.constant 0 : i32
      %dma_start3A_47 = arith.constant 0 : i32
      %dma_start3A_48 = tpu.memref_slice %arg2[%dma_start3A, %dma_start3A_47] : memref<60096x64xf32, #tpu.memory_space<hbm>> -> memref<60096x64xf32, #tpu.memory_space<hbm>>
      tpu.enqueue_indirect_dma source(%dma_start3A_48 : memref<60096x64xf32, #tpu.memory_space<hbm>>) target(%arg14 : memref<128x64xf32, #tpu.memory_space<vmem>>) offsets(%arg12 : memref<128xi32, #tpu.memory_space<vmem>>) semaphore(%arg16 : memref<!tpu.dma_semaphore, #tpu.memory_space<semaphore_mem>>)
      %dma_wait3A = arith.constant 0 : i32
      %dma_wait3A_49 = arith.constant 0 : i32
      %dma_wait3A_50 = tpu.memref_slice %arg2[%dma_wait3A, %dma_wait3A_49] : memref<60096x64xf32, #tpu.memory_space<hbm>> -> memref<60096x64xf32, #tpu.memory_space<hbm>>
      tpu.wait_indirect_dma semaphore(%arg16 : memref<!tpu.dma_semaphore, #tpu.memory_space<semaphore_mem>>) src(%dma_wait3A_50 : memref<60096x64xf32, #tpu.memory_space<hbm>>) dst(%arg14 : memref<128x64xf32, #tpu.memory_space<vmem>>)
      "tpu.region"() ({
        %run_scoped3A_51 = tpu.sem_alloc : memref<!tpu.dma_semaphore, #tpu.memory_space<semaphore_mem>>
        %dma_start3A_52 = arith.constant 0 : i32
        %dma_start3A_53 = arith.constant 0 : i32
        %dma_start3A_54 = tpu.memref_slice %arg10[%dma_start3A_52, %dma_start3A_53] : memref<10016x64xf32, #tpu.memory_space<vmem_shared>> -> memref<128x64xf32, #tpu.memory_space<vmem_shared>>
        %dma_start3A_55 = arith.constant 0 : i32
        %dma_start3A_56 = arith.constant 0 : i32
        %dma_start3A_57 = tpu.memref_slice %arg10[%dma_start3A_55, %dma_start3A_56] : memref<10016x64xf32, #tpu.memory_space<vmem_shared>> -> memref<128x64xf32, #tpu.memory_space<vmem_shared>>
        tpu.enqueue_dma source(%arg14 : memref<128x64xf32, #tpu.memory_space<vmem>>) target(%dma_start3A_57 : memref<128x64xf32, #tpu.memory_space<vmem_shared>>) target_semaphore(%run_scoped3A_51 : memref<!tpu.dma_semaphore, #tpu.memory_space<semaphore_mem>>)
        %dma_wait3A_58 = arith.constant 0 : i32
        %dma_wait3A_59 = arith.constant 0 : i32
        %dma_wait3A_60 = tpu.memref_slice %arg10[%dma_wait3A_58, %dma_wait3A_59] : memref<10016x64xf32, #tpu.memory_space<vmem_shared>> -> memref<128x64xf32, #tpu.memory_space<vmem_shared>>
        %dma_wait3A_61 = arith.constant 0 : i32
        %dma_wait3A_62 = arith.constant 0 : i32
        %dma_wait3A_63 = tpu.memref_slice %arg10[%dma_wait3A_61, %dma_wait3A_62] : memref<10016x64xf32, #tpu.memory_space<vmem_shared>> -> memref<128x64xf32, #tpu.memory_space<vmem_shared>>
        tpu.wait_dma2 semaphore(%run_scoped3A_51 : memref<!tpu.dma_semaphore, #tpu.memory_space<semaphore_mem>>) src(%arg14 : memref<128x64xf32, #tpu.memory_space<vmem>>) dst(%dma_wait3A_63 : memref<128x64xf32, #tpu.memory_space<vmem_shared>>)
        tpu.yield
      }) : () -> ()
    }
    %scan3A_11 = arith.constant 160 : i32
    %barrier3A_12 = arith.constant 0 : index
    tpu.barrier barrier_id(%barrier3A_12)
    "tpu.region"() ({
      %run_scoped3A = tpu.sem_alloc : memref<!tpu.dma_semaphore, #tpu.memory_space<semaphore_mem>>
      %dma_start3A = arith.constant 0 : i32
      %dma_start3A_42 = tpu.memref_slice %arg8[%add3A_6, %multiple_of3A, %dma_start3A] : memref<6x10016x64xf32, #tpu.memory_space<hbm>> -> memref<1x632x64xf32, #tpu.memory_space<hbm>>
      %dma_start3A_43 = tpu.memref_squeeze %dma_start3A_42 : memref<1x632x64xf32, #tpu.memory_space<hbm>> -> memref<632x64xf32, #tpu.memory_space<hbm>>
      %dma_start3A_44 = arith.constant 0 : i32
      %dma_start3A_45 = tpu.memref_slice %arg10[%multiple_of3A, %dma_start3A_44] : memref<10016x64xf32, #tpu.memory_space<vmem_shared>> -> memref<632x64xf32, #tpu.memory_space<vmem_shared>>
      tpu.enqueue_dma source(%dma_start3A_45 : memref<632x64xf32, #tpu.memory_space<vmem_shared>>) target(%dma_start3A_43 : memref<632x64xf32, #tpu.memory_space<hbm>>) target_semaphore(%run_scoped3A : memref<!tpu.dma_semaphore, #tpu.memory_space<semaphore_mem>>)
      %dma_wait3A = arith.constant 0 : i32
      %dma_wait3A_46 = tpu.memref_slice %arg8[%add3A_6, %multiple_of3A, %dma_wait3A] : memref<6x10016x64xf32, #tpu.memory_space<hbm>> -> memref<1x632x64xf32, #tpu.memory_space<hbm>>
      %dma_wait3A_47 = tpu.memref_squeeze %dma_wait3A_46 : memref<1x632x64xf32, #tpu.memory_space<hbm>> -> memref<632x64xf32, #tpu.memory_space<hbm>>
      %dma_wait3A_48 = arith.constant 0 : i32
      %dma_wait3A_49 = tpu.memref_slice %arg10[%multiple_of3A, %dma_wait3A_48] : memref<10016x64xf32, #tpu.memory_space<vmem_shared>> -> memref<632x64xf32, #tpu.memory_space<vmem_shared>>
      tpu.wait_dma2 semaphore(%run_scoped3A : memref<!tpu.dma_semaphore, #tpu.memory_space<semaphore_mem>>) src(%dma_wait3A_49 : memref<632x64xf32, #tpu.memory_space<vmem_shared>>) dst(%dma_wait3A_47 : memref<632x64xf32, #tpu.memory_space<hbm>>)
      tpu.yield
    }) : () -> ()
    %barrier3A_13 = arith.constant 0 : index
    tpu.barrier barrier_id(%barrier3A_13)
    %mul3A_14 = arith.constant 3 : i32
    %mul3A_15 = arith.muli %arg0, %mul3A_14 : i32
    %add3A_16 = arith.constant 1 : i32
    %add3A_17 = arith.addi %mul3A_15, %add3A_16 : i32
    "tpu.region"() ({
      %run_scoped3A = tpu.sem_alloc : memref<!tpu.dma_semaphore, #tpu.memory_space<semaphore_mem>>
      %dma_start3A = arith.constant 0 : i32
      %dma_start3A_42 = tpu.memref_slice %arg10[%multiple_of3A, %dma_start3A] : memref<10016x64xf32, #tpu.memory_space<vmem_shared>> -> memref<632x64xf32, #tpu.memory_space<vmem_shared>>
      tpu.enqueue_dma source(%arg5 : memref<632x64xf32, #tpu.memory_space<hbm>>) target(%dma_start3A_42 : memref<632x64xf32, #tpu.memory_space<vmem_shared>>) target_semaphore(%run_scoped3A : memref<!tpu.dma_semaphore, #tpu.memory_space<semaphore_mem>>)
      %dma_wait3A = arith.constant 0 : i32
      %dma_wait3A_43 = tpu.memref_slice %arg10[%multiple_of3A, %dma_wait3A] : memref<10016x64xf32, #tpu.memory_space<vmem_shared>> -> memref<632x64xf32, #tpu.memory_space<vmem_shared>>
      tpu.wait_dma2 semaphore(%run_scoped3A : memref<!tpu.dma_semaphore, #tpu.memory_space<semaphore_mem>>) src(%arg5 : memref<632x64xf32, #tpu.memory_space<hbm>>) dst(%dma_wait3A_43 : memref<632x64xf32, #tpu.memory_space<vmem_shared>>)
      tpu.yield
    }) : () -> ()
    %barrier3A_18 = arith.constant 0 : index
    tpu.barrier barrier_id(%barrier3A_18)
    %scan3A_19 = arith.constant 0 : i32
    %scan3A_20 = arith.constant 0 : i32
    %scan3A_21 = arith.constant 160 : i32
    %scan3A_22 = arith.addi %scan3A_20, %scan3A_21 : i32
    %scan3A_23 = arith.constant 1 : i32
    scf.for %scan3A_42 = %scan3A_20 to %scan3A_22 step %scan3A_23  : i32 {
      %mul3A_43 = arith.constant 128 : i32
      %mul3A_44 = arith.muli %scan3A_42, %mul3A_43 : i32
      %add3A_45 = arith.addi %mul3A_3, %mul3A_44 : i32
      %multiple_of3A_46 = tpu.assume_multiple %add3A_45, 128 : i32
      "tpu.region"() ({
        %run_scoped3A_51 = tpu.sem_alloc : memref<!tpu.dma_semaphore, #tpu.memory_space<semaphore_mem>>
        %dma_start3A_52 = tpu.memref_slice %arg3[%add3A_17, %multiple_of3A_46] : memref<6x327680xi32, #tpu.memory_space<hbm>> -> memref<1x128xi32, #tpu.memory_space<hbm>>
        %dma_start3A_53 = tpu.memref_squeeze %dma_start3A_52 : memref<1x128xi32, #tpu.memory_space<hbm>> -> memref<128xi32, #tpu.memory_space<hbm>>
        %dma_start3A_54 = tpu.memref_slice %arg3[%add3A_17, %multiple_of3A_46] : memref<6x327680xi32, #tpu.memory_space<hbm>> -> memref<1x128xi32, #tpu.memory_space<hbm>>
        %dma_start3A_55 = tpu.memref_squeeze %dma_start3A_54 : memref<1x128xi32, #tpu.memory_space<hbm>> -> memref<128xi32, #tpu.memory_space<hbm>>
        tpu.enqueue_dma source(%dma_start3A_55 : memref<128xi32, #tpu.memory_space<hbm>>) target(%arg12 : memref<128xi32, #tpu.memory_space<vmem>>) target_semaphore(%run_scoped3A_51 : memref<!tpu.dma_semaphore, #tpu.memory_space<semaphore_mem>>)
        %dma_wait3A_56 = tpu.memref_slice %arg3[%add3A_17, %multiple_of3A_46] : memref<6x327680xi32, #tpu.memory_space<hbm>> -> memref<1x128xi32, #tpu.memory_space<hbm>>
        %dma_wait3A_57 = tpu.memref_squeeze %dma_wait3A_56 : memref<1x128xi32, #tpu.memory_space<hbm>> -> memref<128xi32, #tpu.memory_space<hbm>>
        %dma_wait3A_58 = tpu.memref_slice %arg3[%add3A_17, %multiple_of3A_46] : memref<6x327680xi32, #tpu.memory_space<hbm>> -> memref<1x128xi32, #tpu.memory_space<hbm>>
        %dma_wait3A_59 = tpu.memref_squeeze %dma_wait3A_58 : memref<1x128xi32, #tpu.memory_space<hbm>> -> memref<128xi32, #tpu.memory_space<hbm>>
        tpu.wait_dma2 semaphore(%run_scoped3A_51 : memref<!tpu.dma_semaphore, #tpu.memory_space<semaphore_mem>>) src(%dma_wait3A_59 : memref<128xi32, #tpu.memory_space<hbm>>) dst(%arg12 : memref<128xi32, #tpu.memory_space<vmem>>)
        tpu.yield
      }) : () -> ()
      %run_scoped3A = arith.constant 0 : i32
      "tpu.region"() ({
        %run_scoped3A_51 = tpu.sem_alloc : memref<!tpu.dma_semaphore, #tpu.memory_space<semaphore_mem>>
        %dma_start3A_52 = arith.constant 0 : i32
        %dma_start3A_53 = tpu.memref_slice %arg13[%run_scoped3A, %dma_start3A_52] : memref<1x128xi32, #tpu.memory_space<vmem>> -> memref<1x128xi32, #tpu.memory_space<vmem>>
        %dma_start3A_54 = tpu.memref_squeeze %dma_start3A_53 : memref<1x128xi32, #tpu.memory_space<vmem>> -> memref<128xi32, #tpu.memory_space<vmem>>
        %dma_start3A_55 = tpu.memref_slice %arg4[%multiple_of3A_46] : memref<327680xi32, #tpu.memory_space<hbm>> -> memref<128xi32, #tpu.memory_space<hbm>>
        %dma_start3A_56 = arith.constant 0 : i32
        %dma_start3A_57 = tpu.memref_slice %arg13[%run_scoped3A, %dma_start3A_56] : memref<1x128xi32, #tpu.memory_space<vmem>> -> memref<1x128xi32, #tpu.memory_space<vmem>>
        %dma_start3A_58 = tpu.memref_squeeze %dma_start3A_57 : memref<1x128xi32, #tpu.memory_space<vmem>> -> memref<128xi32, #tpu.memory_space<vmem>>
        %dma_start3A_59 = tpu.memref_slice %arg4[%multiple_of3A_46] : memref<327680xi32, #tpu.memory_space<hbm>> -> memref<128xi32, #tpu.memory_space<hbm>>
        tpu.enqueue_dma source(%dma_start3A_59 : memref<128xi32, #tpu.memory_space<hbm>>) target(%dma_start3A_58 : memref<128xi32, #tpu.memory_space<vmem>>) target_semaphore(%run_scoped3A_51 : memref<!tpu.dma_semaphore, #tpu.memory_space<semaphore_mem>>)
        %dma_wait3A_60 = arith.constant 0 : i32
        %dma_wait3A_61 = tpu.memref_slice %arg13[%run_scoped3A, %dma_wait3A_60] : memref<1x128xi32, #tpu.memory_space<vmem>> -> memref<1x128xi32, #tpu.memory_space<vmem>>
        %dma_wait3A_62 = tpu.memref_squeeze %dma_wait3A_61 : memref<1x128xi32, #tpu.memory_space<vmem>> -> memref<128xi32, #tpu.memory_space<vmem>>
        %dma_wait3A_63 = tpu.memref_slice %arg4[%multiple_of3A_46] : memref<327680xi32, #tpu.memory_space<hbm>> -> memref<128xi32, #tpu.memory_space<hbm>>
        %dma_wait3A_64 = arith.constant 0 : i32
        %dma_wait3A_65 = tpu.memref_slice %arg13[%run_scoped3A, %dma_wait3A_64] : memref<1x128xi32, #tpu.memory_space<vmem>> -> memref<1x128xi32, #tpu.memory_space<vmem>>
        %dma_wait3A_66 = tpu.memref_squeeze %dma_wait3A_65 : memref<1x128xi32, #tpu.memory_space<vmem>> -> memref<128xi32, #tpu.memory_space<vmem>>
        %dma_wait3A_67 = tpu.memref_slice %arg4[%multiple_of3A_46] : memref<327680xi32, #tpu.memory_space<hbm>> -> memref<128xi32, #tpu.memory_space<hbm>>
        tpu.wait_dma2 semaphore(%run_scoped3A_51 : memref<!tpu.dma_semaphore, #tpu.memory_space<semaphore_mem>>) src(%dma_wait3A_67 : memref<128xi32, #tpu.memory_space<hbm>>) dst(%dma_wait3A_66 : memref<128xi32, #tpu.memory_space<vmem>>)
        tpu.yield
      }) : () -> ()
      %dma_start3A = arith.constant 0 : i32
      %dma_start3A_47 = arith.constant 0 : i32
      %dma_start3A_48 = tpu.memref_slice %arg2[%dma_start3A, %dma_start3A_47] : memref<60096x64xf32, #tpu.memory_space<hbm>> -> memref<60096x64xf32, #tpu.memory_space<hbm>>
      tpu.enqueue_indirect_dma source(%dma_start3A_48 : memref<60096x64xf32, #tpu.memory_space<hbm>>) target(%arg14 : memref<128x64xf32, #tpu.memory_space<vmem>>) offsets(%arg12 : memref<128xi32, #tpu.memory_space<vmem>>) semaphore(%arg16 : memref<!tpu.dma_semaphore, #tpu.memory_space<semaphore_mem>>)
      %dma_wait3A = arith.constant 0 : i32
      %dma_wait3A_49 = arith.constant 0 : i32
      %dma_wait3A_50 = tpu.memref_slice %arg2[%dma_wait3A, %dma_wait3A_49] : memref<60096x64xf32, #tpu.memory_space<hbm>> -> memref<60096x64xf32, #tpu.memory_space<hbm>>
      tpu.wait_indirect_dma semaphore(%arg16 : memref<!tpu.dma_semaphore, #tpu.memory_space<semaphore_mem>>) src(%dma_wait3A_50 : memref<60096x64xf32, #tpu.memory_space<hbm>>) dst(%arg14 : memref<128x64xf32, #tpu.memory_space<vmem>>)
      "tpu.region"() ({
        %run_scoped3A_51 = tpu.sem_alloc : memref<!tpu.dma_semaphore, #tpu.memory_space<semaphore_mem>>
        %dma_start3A_52 = arith.constant 0 : i32
        %dma_start3A_53 = arith.constant 0 : i32
        %dma_start3A_54 = tpu.memref_slice %arg10[%dma_start3A_52, %dma_start3A_53] : memref<10016x64xf32, #tpu.memory_space<vmem_shared>> -> memref<128x64xf32, #tpu.memory_space<vmem_shared>>
        %dma_start3A_55 = arith.constant 0 : i32
        %dma_start3A_56 = arith.constant 0 : i32
        %dma_start3A_57 = tpu.memref_slice %arg10[%dma_start3A_55, %dma_start3A_56] : memref<10016x64xf32, #tpu.memory_space<vmem_shared>> -> memref<128x64xf32, #tpu.memory_space<vmem_shared>>
        tpu.enqueue_dma source(%arg14 : memref<128x64xf32, #tpu.memory_space<vmem>>) target(%dma_start3A_57 : memref<128x64xf32, #tpu.memory_space<vmem_shared>>) target_semaphore(%run_scoped3A_51 : memref<!tpu.dma_semaphore, #tpu.memory_space<semaphore_mem>>)
        %dma_wait3A_58 = arith.constant 0 : i32
        %dma_wait3A_59 = arith.constant 0 : i32
        %dma_wait3A_60 = tpu.memref_slice %arg10[%dma_wait3A_58, %dma_wait3A_59] : memref<10016x64xf32, #tpu.memory_space<vmem_shared>> -> memref<128x64xf32, #tpu.memory_space<vmem_shared>>
        %dma_wait3A_61 = arith.constant 0 : i32
        %dma_wait3A_62 = arith.constant 0 : i32
        %dma_wait3A_63 = tpu.memref_slice %arg10[%dma_wait3A_61, %dma_wait3A_62] : memref<10016x64xf32, #tpu.memory_space<vmem_shared>> -> memref<128x64xf32, #tpu.memory_space<vmem_shared>>
        tpu.wait_dma2 semaphore(%run_scoped3A_51 : memref<!tpu.dma_semaphore, #tpu.memory_space<semaphore_mem>>) src(%arg14 : memref<128x64xf32, #tpu.memory_space<vmem>>) dst(%dma_wait3A_63 : memref<128x64xf32, #tpu.memory_space<vmem_shared>>)
        tpu.yield
      }) : () -> ()
    }
    %scan3A_24 = arith.constant 160 : i32
    %barrier3A_25 = arith.constant 0 : index
    tpu.barrier barrier_id(%barrier3A_25)
    "tpu.region"() ({
      %run_scoped3A = tpu.sem_alloc : memref<!tpu.dma_semaphore, #tpu.memory_space<semaphore_mem>>
      %dma_start3A = arith.constant 0 : i32
      %dma_start3A_42 = tpu.memref_slice %arg8[%add3A_17, %multiple_of3A, %dma_start3A] : memref<6x10016x64xf32, #tpu.memory_space<hbm>> -> memref<1x632x64xf32, #tpu.memory_space<hbm>>
      %dma_start3A_43 = tpu.memref_squeeze %dma_start3A_42 : memref<1x632x64xf32, #tpu.memory_space<hbm>> -> memref<632x64xf32, #tpu.memory_space<hbm>>
      %dma_start3A_44 = arith.constant 0 : i32
      %dma_start3A_45 = tpu.memref_slice %arg10[%multiple_of3A, %dma_start3A_44] : memref<10016x64xf32, #tpu.memory_space<vmem_shared>> -> memref<632x64xf32, #tpu.memory_space<vmem_shared>>
      tpu.enqueue_dma source(%dma_start3A_45 : memref<632x64xf32, #tpu.memory_space<vmem_shared>>) target(%dma_start3A_43 : memref<632x64xf32, #tpu.memory_space<hbm>>) target_semaphore(%run_scoped3A : memref<!tpu.dma_semaphore, #tpu.memory_space<semaphore_mem>>)
      %dma_wait3A = arith.constant 0 : i32
      %dma_wait3A_46 = tpu.memref_slice %arg8[%add3A_17, %multiple_of3A, %dma_wait3A] : memref<6x10016x64xf32, #tpu.memory_space<hbm>> -> memref<1x632x64xf32, #tpu.memory_space<hbm>>
      %dma_wait3A_47 = tpu.memref_squeeze %dma_wait3A_46 : memref<1x632x64xf32, #tpu.memory_space<hbm>> -> memref<632x64xf32, #tpu.memory_space<hbm>>
      %dma_wait3A_48 = arith.constant 0 : i32
      %dma_wait3A_49 = tpu.memref_slice %arg10[%multiple_of3A, %dma_wait3A_48] : memref<10016x64xf32, #tpu.memory_space<vmem_shared>> -> memref<632x64xf32, #tpu.memory_space<vmem_shared>>
      tpu.wait_dma2 semaphore(%run_scoped3A : memref<!tpu.dma_semaphore, #tpu.memory_space<semaphore_mem>>) src(%dma_wait3A_49 : memref<632x64xf32, #tpu.memory_space<vmem_shared>>) dst(%dma_wait3A_47 : memref<632x64xf32, #tpu.memory_space<hbm>>)
      tpu.yield
    }) : () -> ()
    %barrier3A_26 = arith.constant 0 : index
    tpu.barrier barrier_id(%barrier3A_26)
    %mul3A_27 = arith.constant 3 : i32
    %mul3A_28 = arith.muli %arg0, %mul3A_27 : i32
    %add3A_29 = arith.constant 2 : i32
    %add3A_30 = arith.addi %mul3A_28, %add3A_29 : i32
    "tpu.region"() ({
      %run_scoped3A = tpu.sem_alloc : memref<!tpu.dma_semaphore, #tpu.memory_space<semaphore_mem>>
      %dma_start3A = arith.constant 0 : i32
      %dma_start3A_42 = tpu.memref_slice %arg10[%multiple_of3A, %dma_start3A] : memref<10016x64xf32, #tpu.memory_space<vmem_shared>> -> memref<632x64xf32, #tpu.memory_space<vmem_shared>>
      tpu.enqueue_dma source(%arg5 : memref<632x64xf32, #tpu.memory_space<hbm>>) target(%dma_start3A_42 : memref<632x64xf32, #tpu.memory_space<vmem_shared>>) target_semaphore(%run_scoped3A : memref<!tpu.dma_semaphore, #tpu.memory_space<semaphore_mem>>)
      %dma_wait3A = arith.constant 0 : i32
      %dma_wait3A_43 = tpu.memref_slice %arg10[%multiple_of3A, %dma_wait3A] : memref<10016x64xf32, #tpu.memory_space<vmem_shared>> -> memref<632x64xf32, #tpu.memory_space<vmem_shared>>
      tpu.wait_dma2 semaphore(%run_scoped3A : memref<!tpu.dma_semaphore, #tpu.memory_space<semaphore_mem>>) src(%arg5 : memref<632x64xf32, #tpu.memory_space<hbm>>) dst(%dma_wait3A_43 : memref<632x64xf32, #tpu.memory_space<vmem_shared>>)
      tpu.yield
    }) : () -> ()
    %barrier3A_31 = arith.constant 0 : index
    tpu.barrier barrier_id(%barrier3A_31)
    %scan3A_32 = arith.constant 0 : i32
    %scan3A_33 = arith.constant 0 : i32
    %scan3A_34 = arith.constant 160 : i32
    %scan3A_35 = arith.addi %scan3A_33, %scan3A_34 : i32
    %scan3A_36 = arith.constant 1 : i32
    scf.for %scan3A_42 = %scan3A_33 to %scan3A_35 step %scan3A_36  : i32 {
      %mul3A_43 = arith.constant 128 : i32
      %mul3A_44 = arith.muli %scan3A_42, %mul3A_43 : i32
      %add3A_45 = arith.addi %mul3A_3, %mul3A_44 : i32
      %multiple_of3A_46 = tpu.assume_multiple %add3A_45, 128 : i32
      "tpu.region"() ({
        %run_scoped3A_51 = tpu.sem_alloc : memref<!tpu.dma_semaphore, #tpu.memory_space<semaphore_mem>>
        %dma_start3A_52 = tpu.memref_slice %arg3[%add3A_30, %multiple_of3A_46] : memref<6x327680xi32, #tpu.memory_space<hbm>> -> memref<1x128xi32, #tpu.memory_space<hbm>>
        %dma_start3A_53 = tpu.memref_squeeze %dma_start3A_52 : memref<1x128xi32, #tpu.memory_space<hbm>> -> memref<128xi32, #tpu.memory_space<hbm>>
        %dma_start3A_54 = tpu.memref_slice %arg3[%add3A_30, %multiple_of3A_46] : memref<6x327680xi32, #tpu.memory_space<hbm>> -> memref<1x128xi32, #tpu.memory_space<hbm>>
        %dma_start3A_55 = tpu.memref_squeeze %dma_start3A_54 : memref<1x128xi32, #tpu.memory_space<hbm>> -> memref<128xi32, #tpu.memory_space<hbm>>
        tpu.enqueue_dma source(%dma_start3A_55 : memref<128xi32, #tpu.memory_space<hbm>>) target(%arg12 : memref<128xi32, #tpu.memory_space<vmem>>) target_semaphore(%run_scoped3A_51 : memref<!tpu.dma_semaphore, #tpu.memory_space<semaphore_mem>>)
        %dma_wait3A_56 = tpu.memref_slice %arg3[%add3A_30, %multiple_of3A_46] : memref<6x327680xi32, #tpu.memory_space<hbm>> -> memref<1x128xi32, #tpu.memory_space<hbm>>
        %dma_wait3A_57 = tpu.memref_squeeze %dma_wait3A_56 : memref<1x128xi32, #tpu.memory_space<hbm>> -> memref<128xi32, #tpu.memory_space<hbm>>
        %dma_wait3A_58 = tpu.memref_slice %arg3[%add3A_30, %multiple_of3A_46] : memref<6x327680xi32, #tpu.memory_space<hbm>> -> memref<1x128xi32, #tpu.memory_space<hbm>>
        %dma_wait3A_59 = tpu.memref_squeeze %dma_wait3A_58 : memref<1x128xi32, #tpu.memory_space<hbm>> -> memref<128xi32, #tpu.memory_space<hbm>>
        tpu.wait_dma2 semaphore(%run_scoped3A_51 : memref<!tpu.dma_semaphore, #tpu.memory_space<semaphore_mem>>) src(%dma_wait3A_59 : memref<128xi32, #tpu.memory_space<hbm>>) dst(%arg12 : memref<128xi32, #tpu.memory_space<vmem>>)
        tpu.yield
      }) : () -> ()
      %run_scoped3A = arith.constant 0 : i32
      "tpu.region"() ({
        %run_scoped3A_51 = tpu.sem_alloc : memref<!tpu.dma_semaphore, #tpu.memory_space<semaphore_mem>>
        %dma_start3A_52 = arith.constant 0 : i32
        %dma_start3A_53 = tpu.memref_slice %arg13[%run_scoped3A, %dma_start3A_52] : memref<1x128xi32, #tpu.memory_space<vmem>> -> memref<1x128xi32, #tpu.memory_space<vmem>>
        %dma_start3A_54 = tpu.memref_squeeze %dma_start3A_53 : memref<1x128xi32, #tpu.memory_space<vmem>> -> memref<128xi32, #tpu.memory_space<vmem>>
        %dma_start3A_55 = tpu.memref_slice %arg4[%multiple_of3A_46] : memref<327680xi32, #tpu.memory_space<hbm>> -> memref<128xi32, #tpu.memory_space<hbm>>
        %dma_start3A_56 = arith.constant 0 : i32
        %dma_start3A_57 = tpu.memref_slice %arg13[%run_scoped3A, %dma_start3A_56] : memref<1x128xi32, #tpu.memory_space<vmem>> -> memref<1x128xi32, #tpu.memory_space<vmem>>
        %dma_start3A_58 = tpu.memref_squeeze %dma_start3A_57 : memref<1x128xi32, #tpu.memory_space<vmem>> -> memref<128xi32, #tpu.memory_space<vmem>>
        %dma_start3A_59 = tpu.memref_slice %arg4[%multiple_of3A_46] : memref<327680xi32, #tpu.memory_space<hbm>> -> memref<128xi32, #tpu.memory_space<hbm>>
        tpu.enqueue_dma source(%dma_start3A_59 : memref<128xi32, #tpu.memory_space<hbm>>) target(%dma_start3A_58 : memref<128xi32, #tpu.memory_space<vmem>>) target_semaphore(%run_scoped3A_51 : memref<!tpu.dma_semaphore, #tpu.memory_space<semaphore_mem>>)
        %dma_wait3A_60 = arith.constant 0 : i32
        %dma_wait3A_61 = tpu.memref_slice %arg13[%run_scoped3A, %dma_wait3A_60] : memref<1x128xi32, #tpu.memory_space<vmem>> -> memref<1x128xi32, #tpu.memory_space<vmem>>
        %dma_wait3A_62 = tpu.memref_squeeze %dma_wait3A_61 : memref<1x128xi32, #tpu.memory_space<vmem>> -> memref<128xi32, #tpu.memory_space<vmem>>
        %dma_wait3A_63 = tpu.memref_slice %arg4[%multiple_of3A_46] : memref<327680xi32, #tpu.memory_space<hbm>> -> memref<128xi32, #tpu.memory_space<hbm>>
        %dma_wait3A_64 = arith.constant 0 : i32
        %dma_wait3A_65 = tpu.memref_slice %arg13[%run_scoped3A, %dma_wait3A_64] : memref<1x128xi32, #tpu.memory_space<vmem>> -> memref<1x128xi32, #tpu.memory_space<vmem>>
        %dma_wait3A_66 = tpu.memref_squeeze %dma_wait3A_65 : memref<1x128xi32, #tpu.memory_space<vmem>> -> memref<128xi32, #tpu.memory_space<vmem>>
        %dma_wait3A_67 = tpu.memref_slice %arg4[%multiple_of3A_46] : memref<327680xi32, #tpu.memory_space<hbm>> -> memref<128xi32, #tpu.memory_space<hbm>>
        tpu.wait_dma2 semaphore(%run_scoped3A_51 : memref<!tpu.dma_semaphore, #tpu.memory_space<semaphore_mem>>) src(%dma_wait3A_67 : memref<128xi32, #tpu.memory_space<hbm>>) dst(%dma_wait3A_66 : memref<128xi32, #tpu.memory_space<vmem>>)
        tpu.yield
      }) : () -> ()
      %dma_start3A = arith.constant 0 : i32
      %dma_start3A_47 = arith.constant 0 : i32
      %dma_start3A_48 = tpu.memref_slice %arg2[%dma_start3A, %dma_start3A_47] : memref<60096x64xf32, #tpu.memory_space<hbm>> -> memref<60096x64xf32, #tpu.memory_space<hbm>>
      tpu.enqueue_indirect_dma source(%dma_start3A_48 : memref<60096x64xf32, #tpu.memory_space<hbm>>) target(%arg14 : memref<128x64xf32, #tpu.memory_space<vmem>>) offsets(%arg12 : memref<128xi32, #tpu.memory_space<vmem>>) semaphore(%arg16 : memref<!tpu.dma_semaphore, #tpu.memory_space<semaphore_mem>>)
      %dma_wait3A = arith.constant 0 : i32
      %dma_wait3A_49 = arith.constant 0 : i32
      %dma_wait3A_50 = tpu.memref_slice %arg2[%dma_wait3A, %dma_wait3A_49] : memref<60096x64xf32, #tpu.memory_space<hbm>> -> memref<60096x64xf32, #tpu.memory_space<hbm>>
      tpu.wait_indirect_dma semaphore(%arg16 : memref<!tpu.dma_semaphore, #tpu.memory_space<semaphore_mem>>) src(%dma_wait3A_50 : memref<60096x64xf32, #tpu.memory_space<hbm>>) dst(%arg14 : memref<128x64xf32, #tpu.memory_space<vmem>>)
      "tpu.region"() ({
        %run_scoped3A_51 = tpu.sem_alloc : memref<!tpu.dma_semaphore, #tpu.memory_space<semaphore_mem>>
        %dma_start3A_52 = arith.constant 0 : i32
        %dma_start3A_53 = arith.constant 0 : i32
        %dma_start3A_54 = tpu.memref_slice %arg10[%dma_start3A_52, %dma_start3A_53] : memref<10016x64xf32, #tpu.memory_space<vmem_shared>> -> memref<128x64xf32, #tpu.memory_space<vmem_shared>>
        %dma_start3A_55 = arith.constant 0 : i32
        %dma_start3A_56 = arith.constant 0 : i32
        %dma_start3A_57 = tpu.memref_slice %arg10[%dma_start3A_55, %dma_start3A_56] : memref<10016x64xf32, #tpu.memory_space<vmem_shared>> -> memref<128x64xf32, #tpu.memory_space<vmem_shared>>
        tpu.enqueue_dma source(%arg14 : memref<128x64xf32, #tpu.memory_space<vmem>>) target(%dma_start3A_57 : memref<128x64xf32, #tpu.memory_space<vmem_shared>>) target_semaphore(%run_scoped3A_51 : memref<!tpu.dma_semaphore, #tpu.memory_space<semaphore_mem>>)
        %dma_wait3A_58 = arith.constant 0 : i32
        %dma_wait3A_59 = arith.constant 0 : i32
        %dma_wait3A_60 = tpu.memref_slice %arg10[%dma_wait3A_58, %dma_wait3A_59] : memref<10016x64xf32, #tpu.memory_space<vmem_shared>> -> memref<128x64xf32, #tpu.memory_space<vmem_shared>>
        %dma_wait3A_61 = arith.constant 0 : i32
        %dma_wait3A_62 = arith.constant 0 : i32
        %dma_wait3A_63 = tpu.memref_slice %arg10[%dma_wait3A_61, %dma_wait3A_62] : memref<10016x64xf32, #tpu.memory_space<vmem_shared>> -> memref<128x64xf32, #tpu.memory_space<vmem_shared>>
        tpu.wait_dma2 semaphore(%run_scoped3A_51 : memref<!tpu.dma_semaphore, #tpu.memory_space<semaphore_mem>>) src(%arg14 : memref<128x64xf32, #tpu.memory_space<vmem>>) dst(%dma_wait3A_63 : memref<128x64xf32, #tpu.memory_space<vmem_shared>>)
        tpu.yield
      }) : () -> ()
    }
    %scan3A_37 = arith.constant 160 : i32
    %barrier3A_38 = arith.constant 0 : index
    tpu.barrier barrier_id(%barrier3A_38)
    "tpu.region"() ({
      %run_scoped3A = tpu.sem_alloc : memref<!tpu.dma_semaphore, #tpu.memory_space<semaphore_mem>>
      %dma_start3A = arith.constant 0 : i32
      %dma_start3A_42 = tpu.memref_slice %arg8[%add3A_30, %multiple_of3A, %dma_start3A] : memref<6x10016x64xf32, #tpu.memory_space<hbm>> -> memref<1x632x64xf32, #tpu.memory_space<hbm>>
      %dma_start3A_43 = tpu.memref_squeeze %dma_start3A_42 : memref<1x632x64xf32, #tpu.memory_space<hbm>> -> memref<632x64xf32, #tpu.memory_space<hbm>>
      %dma_start3A_44 = arith.constant 0 : i32
      %dma_start3A_45 = tpu.memref_slice %arg10[%multiple_of3A, %dma_start3A_44] : memref<10016x64xf32, #tpu.memory_space<vmem_shared>> -> memref<632x64xf32, #tpu.memory_space<vmem_shared>>
      tpu.enqueue_dma source(%dma_start3A_45 : memref<632x64xf32, #tpu.memory_space<vmem_shared>>) target(%dma_start3A_43 : memref<632x64xf32, #tpu.memory_space<hbm>>) target_semaphore(%run_scoped3A : memref<!tpu.dma_semaphore, #tpu.memory_space<semaphore_mem>>)
      %dma_wait3A = arith.constant 0 : i32
      %dma_wait3A_46 = tpu.memref_slice %arg8[%add3A_30, %multiple_of3A, %dma_wait3A] : memref<6x10016x64xf32, #tpu.memory_space<hbm>> -> memref<1x632x64xf32, #tpu.memory_space<hbm>>
      %dma_wait3A_47 = tpu.memref_squeeze %dma_wait3A_46 : memref<1x632x64xf32, #tpu.memory_space<hbm>> -> memref<632x64xf32, #tpu.memory_space<hbm>>
      %dma_wait3A_48 = arith.constant 0 : i32
      %dma_wait3A_49 = tpu.memref_slice %arg10[%multiple_of3A, %dma_wait3A_48] : memref<10016x64xf32, #tpu.memory_space<vmem_shared>> -> memref<632x64xf32, #tpu.memory_space<vmem_shared>>
      tpu.wait_dma2 semaphore(%run_scoped3A : memref<!tpu.dma_semaphore, #tpu.memory_space<semaphore_mem>>) src(%dma_wait3A_49 : memref<632x64xf32, #tpu.memory_space<vmem_shared>>) dst(%dma_wait3A_47 : memref<632x64xf32, #tpu.memory_space<hbm>>)
      tpu.yield
    }) : () -> ()
    %barrier3A_39 = arith.constant 0 : index
    tpu.barrier barrier_id(%barrier3A_39)
    %eq3A = arith.constant 0 : i32
    %eq3A_40 = arith.cmpi eq, %arg0, %eq3A : i32
    %convert_element_type3A = arith.extui %eq3A_40 : i1 to i32
    %cond3A = arith.constant 0 : i32
    %cond3A_41 = arith.cmpi ne, %convert_element_type3A, %cond3A : i32
    scf.if %cond3A_41 {
      "tpu.region"() ({
        %run_scoped3A = tpu.sem_alloc : memref<!tpu.dma_semaphore, #tpu.memory_space<semaphore_mem>>
        %dma_start3A = arith.constant 0 : i32
        %dma_start3A_42 = tpu.memref_slice %arg9[%multiple_of3A, %dma_start3A] : memref<10016x16xf32, #tpu.memory_space<hbm>> -> memref<632x16xf32, #tpu.memory_space<hbm>>
        %dma_start3A_43 = arith.constant 0 : i32
        %dma_start3A_44 = tpu.memref_slice %arg11[%multiple_of3A, %dma_start3A_43] : memref<10016x16xf32, #tpu.memory_space<vmem_shared>> -> memref<632x16xf32, #tpu.memory_space<vmem_shared>>
        tpu.enqueue_dma source(%dma_start3A_44 : memref<632x16xf32, #tpu.memory_space<vmem_shared>>) target(%dma_start3A_42 : memref<632x16xf32, #tpu.memory_space<hbm>>) target_semaphore(%run_scoped3A : memref<!tpu.dma_semaphore, #tpu.memory_space<semaphore_mem>>)
        %dma_wait3A = arith.constant 0 : i32
        %dma_wait3A_45 = tpu.memref_slice %arg9[%multiple_of3A, %dma_wait3A] : memref<10016x16xf32, #tpu.memory_space<hbm>> -> memref<632x16xf32, #tpu.memory_space<hbm>>
        %dma_wait3A_46 = arith.constant 0 : i32
        %dma_wait3A_47 = tpu.memref_slice %arg11[%multiple_of3A, %dma_wait3A_46] : memref<10016x16xf32, #tpu.memory_space<vmem_shared>> -> memref<632x16xf32, #tpu.memory_space<vmem_shared>>
        tpu.wait_dma2 semaphore(%run_scoped3A : memref<!tpu.dma_semaphore, #tpu.memory_space<semaphore_mem>>) src(%dma_wait3A_47 : memref<632x16xf32, #tpu.memory_space<vmem_shared>>) dst(%dma_wait3A_45 : memref<632x16xf32, #tpu.memory_space<hbm>>)
        tpu.yield
      }) : () -> ()
    } else {
    }
    return
  }
}

module attributes {stable_mosaic.version = 14 : i64} {
  func.func @_p1_body(%arg0: i32, %arg1: memref<2504x128xf32, #tpu.memory_space<vmem>>, %arg2: memref<3x128xf32, #tpu.memory_space<vmem>>, %arg3: memref<1x3xf32, #tpu.memory_space<vmem>>, %arg4: memref<6x2504x64xf32, #tpu.memory_space<vmem>>, %arg5: memref<2504x3xf32, #tpu.memory_space<vmem>>) attributes {dimension_semantics = [#tpu.dimension_semantics<arbitrary>], iteration_bounds = array<i64: 4>, scalar_prefetch = 0 : i64, scratch_operands = 0 : i64, tpu.core_type = #tpu.core_type<tc>, window_params = [{transform_indices = @transform_0, window_bounds = array<i64: 2504, 128>}, {pipeline_mode = #tpu.pipeline_mode<synchronous>, transform_indices = @transform_1, window_bounds = array<i64: 3, 128>}, {pipeline_mode = #tpu.pipeline_mode<synchronous>, transform_indices = @transform_2, window_bounds = array<i64: 1, 3>}, {transform_indices = @transform_3, window_bounds = array<i64: 6, 2504, 64>}, {transform_indices = @transform_4, window_bounds = array<i64: 2504, 3>}]} {
    %get3A = arith.constant 0 : index
    %get3A_0 = arith.constant 0 : index
    %get3A_1 = vector.load %arg1[%get3A, %get3A_0] : memref<2504x128xf32, #tpu.memory_space<vmem>>, vector<2504x128xf32>
    %get3A_2 = arith.constant 0 : index
    %get3A_3 = arith.constant 0 : index
    %get3A_4 = vector.load %arg2[%get3A_2, %get3A_3] : memref<3x128xf32, #tpu.memory_space<vmem>>, vector<3x128xf32>
    %get3A_5 = arith.constant 0 : index
    %get3A_6 = arith.constant 0 : index
    %get3A_7 = vector.load %arg3[%get3A_5, %get3A_6] : memref<1x3xf32, #tpu.memory_space<vmem>>, vector<1x3xf32>
    %dot_general3A = arith.constant dense<0.000000e+00> : vector<2504x3xf32>
    %dot_general3A_8 = tpu.matmul %get3A_1, %get3A_4, %dot_general3A {dimension_numbers = #tpu.dot_dimension_numbers<[1], [1], [0], [0], [0, 0, 1, 0], [], []>, transpose_lhs_hint = false} : vector<2504x128xf32>, vector<3x128xf32>, vector<2504x3xf32> -> vector<2504x3xf32>
    %add3A = vector.broadcast %get3A_7 : vector<1x3xf32> to vector<2504x3xf32>
    %add3A_9 = arith.addf %dot_general3A_8, %add3A : vector<2504x3xf32>
    %reduce_max3A = arith.constant dense<0xFF800000> : vector<2504xf32>
    %reduce_max3A_10 = vector.multi_reduction <maximumf>, %add3A_9, %reduce_max3A [1] : vector<2504x3xf32> to vector<2504xf32>
    %broadcast_in_dim3A = vector.shape_cast %reduce_max3A_10 : vector<2504xf32> to vector<2504x1xf32>
    %sub3A = vector.broadcast %broadcast_in_dim3A : vector<2504x1xf32> to vector<2504x3xf32>
    %sub3A_11 = arith.subf %add3A_9, %sub3A : vector<2504x3xf32>
    %exp3A = math.exp %sub3A_11 : vector<2504x3xf32>
    %reduce_sum3A = arith.constant dense<0.000000e+00> : vector<2504xf32>
    %reduce_sum3A_12 = vector.multi_reduction <add>, %exp3A, %reduce_sum3A [1] : vector<2504x3xf32> to vector<2504xf32>
    %broadcast_in_dim3A_13 = vector.shape_cast %reduce_sum3A_12 : vector<2504xf32> to vector<2504x1xf32>
    %div3A = vector.broadcast %broadcast_in_dim3A_13 : vector<2504x1xf32> to vector<2504x3xf32>
    %div3A_14 = arith.divf %exp3A, %div3A : vector<2504x3xf32>
    %swap3A = arith.constant 0 : index
    %swap3A_15 = arith.constant 0 : index
    %swap3A_16 = vector.load %arg5[%swap3A, %swap3A_15] : memref<2504x3xf32, #tpu.memory_space<vmem>>, vector<2504x3xf32>
    tpu.vector_store %arg5[%swap3A, %swap3A_15], %div3A_14 {strides = array<i32>} : memref<2504x3xf32, #tpu.memory_space<vmem>>, vector<2504x3xf32>,
    %slice3A = vector.extract_strided_slice %get3A_1 {offsets = [0, 0], sizes = [2504, 64], strides = [1, 1]} : vector<2504x128xf32> to vector<2504x64xf32>
    %slice3A_17 = vector.extract_strided_slice %div3A_14 {offsets = [0, 0], sizes = [2504, 1], strides = [1, 1]} : vector<2504x3xf32> to vector<2504x1xf32>
    %mul3A = vector.broadcast %slice3A_17 : vector<2504x1xf32> to vector<2504x64xf32>
    %mul3A_18 = arith.mulf %slice3A, %mul3A : vector<2504x64xf32>
    %swap3A_19 = arith.constant 0 : index
    %swap3A_20 = arith.constant 0 : index
    %swap3A_21 = arith.constant 0 : index
    %swap3A_22 = vector.load %arg4[%swap3A_19, %swap3A_20, %swap3A_21] : memref<6x2504x64xf32, #tpu.memory_space<vmem>>, vector<1x2504x64xf32>
    %swap3A_23 = vector.shape_cast %swap3A_22 : vector<1x2504x64xf32> to vector<2504x64xf32>
    %swap3A_24 = vector.shape_cast %mul3A_18 : vector<2504x64xf32> to vector<1x2504x64xf32>
    tpu.vector_store %arg4[%swap3A_19, %swap3A_20, %swap3A_21], %swap3A_24 {strides = array<i32>} : memref<6x2504x64xf32, #tpu.memory_space<vmem>>, vector<1x2504x64xf32>,
    %slice3A_25 = vector.extract_strided_slice %get3A_1 {offsets = [0, 64], sizes = [2504, 64], strides = [1, 1]} : vector<2504x128xf32> to vector<2504x64xf32>
    %slice3A_26 = vector.extract_strided_slice %div3A_14 {offsets = [0, 0], sizes = [2504, 1], strides = [1, 1]} : vector<2504x3xf32> to vector<2504x1xf32>
    %mul3A_27 = vector.broadcast %slice3A_26 : vector<2504x1xf32> to vector<2504x64xf32>
    %mul3A_28 = arith.mulf %slice3A_25, %mul3A_27 : vector<2504x64xf32>
    %swap3A_29 = arith.constant 1 : index
    %swap3A_30 = arith.constant 0 : index
    %swap3A_31 = arith.constant 0 : index
    %swap3A_32 = vector.load %arg4[%swap3A_29, %swap3A_30, %swap3A_31] : memref<6x2504x64xf32, #tpu.memory_space<vmem>>, vector<1x2504x64xf32>
    %swap3A_33 = vector.shape_cast %swap3A_32 : vector<1x2504x64xf32> to vector<2504x64xf32>
    %swap3A_34 = vector.shape_cast %mul3A_28 : vector<2504x64xf32> to vector<1x2504x64xf32>
    tpu.vector_store %arg4[%swap3A_29, %swap3A_30, %swap3A_31], %swap3A_34 {strides = array<i32>} : memref<6x2504x64xf32, #tpu.memory_space<vmem>>, vector<1x2504x64xf32>,
    %slice3A_35 = vector.extract_strided_slice %get3A_1 {offsets = [0, 0], sizes = [2504, 64], strides = [1, 1]} : vector<2504x128xf32> to vector<2504x64xf32>
    %slice3A_36 = vector.extract_strided_slice %div3A_14 {offsets = [0, 1], sizes = [2504, 1], strides = [1, 1]} : vector<2504x3xf32> to vector<2504x1xf32>
    %mul3A_37 = vector.broadcast %slice3A_36 : vector<2504x1xf32> to vector<2504x64xf32>
    %mul3A_38 = arith.mulf %slice3A_35, %mul3A_37 : vector<2504x64xf32>
    %swap3A_39 = arith.constant 2 : index
    %swap3A_40 = arith.constant 0 : index
    %swap3A_41 = arith.constant 0 : index
    %swap3A_42 = vector.load %arg4[%swap3A_39, %swap3A_40, %swap3A_41] : memref<6x2504x64xf32, #tpu.memory_space<vmem>>, vector<1x2504x64xf32>
    %swap3A_43 = vector.shape_cast %swap3A_42 : vector<1x2504x64xf32> to vector<2504x64xf32>
    %swap3A_44 = vector.shape_cast %mul3A_38 : vector<2504x64xf32> to vector<1x2504x64xf32>
    tpu.vector_store %arg4[%swap3A_39, %swap3A_40, %swap3A_41], %swap3A_44 {strides = array<i32>} : memref<6x2504x64xf32, #tpu.memory_space<vmem>>, vector<1x2504x64xf32>,
    %slice3A_45 = vector.extract_strided_slice %get3A_1 {offsets = [0, 64], sizes = [2504, 64], strides = [1, 1]} : vector<2504x128xf32> to vector<2504x64xf32>
    %slice3A_46 = vector.extract_strided_slice %div3A_14 {offsets = [0, 1], sizes = [2504, 1], strides = [1, 1]} : vector<2504x3xf32> to vector<2504x1xf32>
    %mul3A_47 = vector.broadcast %slice3A_46 : vector<2504x1xf32> to vector<2504x64xf32>
    %mul3A_48 = arith.mulf %slice3A_45, %mul3A_47 : vector<2504x64xf32>
    %swap3A_49 = arith.constant 3 : index
    %swap3A_50 = arith.constant 0 : index
    %swap3A_51 = arith.constant 0 : index
    %swap3A_52 = vector.load %arg4[%swap3A_49, %swap3A_50, %swap3A_51] : memref<6x2504x64xf32, #tpu.memory_space<vmem>>, vector<1x2504x64xf32>
    %swap3A_53 = vector.shape_cast %swap3A_52 : vector<1x2504x64xf32> to vector<2504x64xf32>
    %swap3A_54 = vector.shape_cast %mul3A_48 : vector<2504x64xf32> to vector<1x2504x64xf32>
    tpu.vector_store %arg4[%swap3A_49, %swap3A_50, %swap3A_51], %swap3A_54 {strides = array<i32>} : memref<6x2504x64xf32, #tpu.memory_space<vmem>>, vector<1x2504x64xf32>,
    %slice3A_55 = vector.extract_strided_slice %get3A_1 {offsets = [0, 0], sizes = [2504, 64], strides = [1, 1]} : vector<2504x128xf32> to vector<2504x64xf32>
    %slice3A_56 = vector.extract_strided_slice %div3A_14 {offsets = [0, 2], sizes = [2504, 1], strides = [1, 1]} : vector<2504x3xf32> to vector<2504x1xf32>
    %mul3A_57 = vector.broadcast %slice3A_56 : vector<2504x1xf32> to vector<2504x64xf32>
    %mul3A_58 = arith.mulf %slice3A_55, %mul3A_57 : vector<2504x64xf32>
    %swap3A_59 = arith.constant 4 : index
    %swap3A_60 = arith.constant 0 : index
    %swap3A_61 = arith.constant 0 : index
    %swap3A_62 = vector.load %arg4[%swap3A_59, %swap3A_60, %swap3A_61] : memref<6x2504x64xf32, #tpu.memory_space<vmem>>, vector<1x2504x64xf32>
    %swap3A_63 = vector.shape_cast %swap3A_62 : vector<1x2504x64xf32> to vector<2504x64xf32>
    %swap3A_64 = vector.shape_cast %mul3A_58 : vector<2504x64xf32> to vector<1x2504x64xf32>
    tpu.vector_store %arg4[%swap3A_59, %swap3A_60, %swap3A_61], %swap3A_64 {strides = array<i32>} : memref<6x2504x64xf32, #tpu.memory_space<vmem>>, vector<1x2504x64xf32>,
    %slice3A_65 = vector.extract_strided_slice %get3A_1 {offsets = [0, 64], sizes = [2504, 64], strides = [1, 1]} : vector<2504x128xf32> to vector<2504x64xf32>
    %slice3A_66 = vector.extract_strided_slice %div3A_14 {offsets = [0, 2], sizes = [2504, 1], strides = [1, 1]} : vector<2504x3xf32> to vector<2504x1xf32>
    %mul3A_67 = vector.broadcast %slice3A_66 : vector<2504x1xf32> to vector<2504x64xf32>
    %mul3A_68 = arith.mulf %slice3A_65, %mul3A_67 : vector<2504x64xf32>
    %swap3A_69 = arith.constant 5 : index
    %swap3A_70 = arith.constant 0 : index
    %swap3A_71 = arith.constant 0 : index
    %swap3A_72 = vector.load %arg4[%swap3A_69, %swap3A_70, %swap3A_71] : memref<6x2504x64xf32, #tpu.memory_space<vmem>>, vector<1x2504x64xf32>
    %swap3A_73 = vector.shape_cast %swap3A_72 : vector<1x2504x64xf32> to vector<2504x64xf32>
    %swap3A_74 = vector.shape_cast %mul3A_68 : vector<2504x64xf32> to vector<1x2504x64xf32>
    tpu.vector_store %arg4[%swap3A_69, %swap3A_70, %swap3A_71], %swap3A_74 {strides = array<i32>} : memref<6x2504x64xf32, #tpu.memory_space<vmem>>, vector<1x2504x64xf32>,
    return
  }
  func.func @transform_0(%arg0: i32) -> (i32, i32) {
    %c0_i32 = arith.constant 0 : i32
    %c0_i32_0 = arith.constant 0 : i32
    return %arg0, %c0_i32 : i32, i32
  }
  func.func @transform_1(%arg0: i32) -> (i32, i32) {
    %c0_i32 = arith.constant 0 : i32
    %c0_i32_0 = arith.constant 0 : i32
    %c0_i32_1 = arith.constant 0 : i32
    return %c0_i32, %c0_i32_0 : i32, i32
  }
  func.func @transform_2(%arg0: i32) -> (i32, i32) {
    %c0_i32 = arith.constant 0 : i32
    %c0_i32_0 = arith.constant 0 : i32
    %c0_i32_1 = arith.constant 0 : i32
    return %c0_i32, %c0_i32_0 : i32, i32
  }
  func.func @transform_3(%arg0: i32) -> (i32, i32, i32) {
    %c0_i32 = arith.constant 0 : i32
    %c0_i32_0 = arith.constant 0 : i32
    %c0_i32_1 = arith.constant 0 : i32
    return %c0_i32, %arg0, %c0_i32_0 : i32, i32, i32
  }
  func.func @transform_4(%arg0: i32) -> (i32, i32) {
    %c0_i32 = arith.constant 0 : i32
    %c0_i32_0 = arith.constant 0 : i32
    return %arg0, %c0_i32 : i32, i32
  }
}

module attributes {stable_mosaic.version = 14 : i64} {
  func.func @_p3_body(%arg0: i32, %arg1: memref<6x2000x64xf32, #tpu.memory_space<vmem>>, %arg2: memref<2000x16xf32, #tpu.memory_space<vmem>>, %arg3: memref<2000x3xf32, #tpu.memory_space<vmem>>, %arg4: memref<2000x128xf32, #tpu.memory_space<vmem>>) attributes {dimension_semantics = [#tpu.dimension_semantics<arbitrary>], iteration_bounds = array<i64: 5>, scalar_prefetch = 0 : i64, scratch_operands = 0 : i64, tpu.core_type = #tpu.core_type<tc>, window_params = [{transform_indices = @transform_0, window_bounds = array<i64: 6, 2000, 64>}, {transform_indices = @transform_1, window_bounds = array<i64: 2000, 16>}, {transform_indices = @transform_2, window_bounds = array<i64: 2000, 3>}, {transform_indices = @transform_3, window_bounds = array<i64: 2000, 128>}]} {
    %get3A = arith.constant 0 : index
    %get3A_0 = arith.constant 0 : index
    %get3A_1 = vector.load %arg3[%get3A, %get3A_0] : memref<2000x3xf32, #tpu.memory_space<vmem>>, vector<2000x3xf32>
    %get3A_2 = arith.constant 0 : index
    %get3A_3 = arith.constant 0 : index
    %get3A_4 = vector.load %arg2[%get3A_2, %get3A_3] : memref<2000x16xf32, #tpu.memory_space<vmem>>, vector<2000x16xf32>
    %slice3A = vector.extract_strided_slice %get3A_4 {offsets = [0, 0], sizes = [2000, 1], strides = [1, 1]} : vector<2000x16xf32> to vector<2000x1xf32>
    %get3A_5 = arith.constant 0 : index
    %get3A_6 = arith.constant 0 : index
    %get3A_7 = arith.constant 0 : index
    %get3A_8 = vector.load %arg1[%get3A_5, %get3A_6, %get3A_7] : memref<6x2000x64xf32, #tpu.memory_space<vmem>>, vector<1x2000x64xf32>
    %get3A_9 = vector.shape_cast %get3A_8 : vector<1x2000x64xf32> to vector<2000x64xf32>
    %get3A_10 = arith.constant 1 : index
    %get3A_11 = arith.constant 0 : index
    %get3A_12 = arith.constant 0 : index
    %get3A_13 = vector.load %arg1[%get3A_10, %get3A_11, %get3A_12] : memref<6x2000x64xf32, #tpu.memory_space<vmem>>, vector<1x2000x64xf32>
    %get3A_14 = vector.shape_cast %get3A_13 : vector<1x2000x64xf32> to vector<2000x64xf32>
    %concatenate3A = tpu.concatenate %get3A_9, %get3A_14 in 1 : vector<2000x64xf32>, vector<2000x64xf32> -> vector<2000x128xf32>
    %get3A_15 = arith.constant 2 : index
    %get3A_16 = arith.constant 0 : index
    %get3A_17 = arith.constant 0 : index
    %get3A_18 = vector.load %arg1[%get3A_15, %get3A_16, %get3A_17] : memref<6x2000x64xf32, #tpu.memory_space<vmem>>, vector<1x2000x64xf32>
    %get3A_19 = vector.shape_cast %get3A_18 : vector<1x2000x64xf32> to vector<2000x64xf32>
    %get3A_20 = arith.constant 3 : index
    %get3A_21 = arith.constant 0 : index
    %get3A_22 = arith.constant 0 : index
    %get3A_23 = vector.load %arg1[%get3A_20, %get3A_21, %get3A_22] : memref<6x2000x64xf32, #tpu.memory_space<vmem>>, vector<1x2000x64xf32>
    %get3A_24 = vector.shape_cast %get3A_23 : vector<1x2000x64xf32> to vector<2000x64xf32>
    %concatenate3A_25 = tpu.concatenate %get3A_19, %get3A_24 in 1 : vector<2000x64xf32>, vector<2000x64xf32> -> vector<2000x128xf32>
    %get3A_26 = arith.constant 4 : index
    %get3A_27 = arith.constant 0 : index
    %get3A_28 = arith.constant 0 : index
    %get3A_29 = vector.load %arg1[%get3A_26, %get3A_27, %get3A_28] : memref<6x2000x64xf32, #tpu.memory_space<vmem>>, vector<1x2000x64xf32>
    %get3A_30 = vector.shape_cast %get3A_29 : vector<1x2000x64xf32> to vector<2000x64xf32>
    %get3A_31 = arith.constant 5 : index
    %get3A_32 = arith.constant 0 : index
    %get3A_33 = arith.constant 0 : index
    %get3A_34 = vector.load %arg1[%get3A_31, %get3A_32, %get3A_33] : memref<6x2000x64xf32, #tpu.memory_space<vmem>>, vector<1x2000x64xf32>
    %get3A_35 = vector.shape_cast %get3A_34 : vector<1x2000x64xf32> to vector<2000x64xf32>
    %concatenate3A_36 = tpu.concatenate %get3A_30, %get3A_35 in 1 : vector<2000x64xf32>, vector<2000x64xf32> -> vector<2000x128xf32>
    %slice3A_37 = vector.extract_strided_slice %get3A_1 {offsets = [0, 0], sizes = [2000, 1], strides = [1, 1]} : vector<2000x3xf32> to vector<2000x1xf32>
    %mul3A = vector.broadcast %slice3A_37 : vector<2000x1xf32> to vector<2000x128xf32>
    %mul3A_38 = arith.mulf %mul3A, %concatenate3A : vector<2000x128xf32>
    %slice3A_39 = vector.extract_strided_slice %get3A_1 {offsets = [0, 1], sizes = [2000, 1], strides = [1, 1]} : vector<2000x3xf32> to vector<2000x1xf32>
    %mul3A_40 = vector.broadcast %slice3A_39 : vector<2000x1xf32> to vector<2000x128xf32>
    %mul3A_41 = arith.mulf %mul3A_40, %concatenate3A_25 : vector<2000x128xf32>
    %add3A = arith.addf %mul3A_38, %mul3A_41 : vector<2000x128xf32>
    %slice3A_42 = vector.extract_strided_slice %get3A_1 {offsets = [0, 2], sizes = [2000, 1], strides = [1, 1]} : vector<2000x3xf32> to vector<2000x1xf32>
    %mul3A_43 = vector.broadcast %slice3A_42 : vector<2000x1xf32> to vector<2000x128xf32>
    %mul3A_44 = arith.mulf %mul3A_43, %concatenate3A_36 : vector<2000x128xf32>
    %add3A_45 = arith.addf %add3A, %mul3A_44 : vector<2000x128xf32>
    %jit3A = arith.constant 1.000000e+00 : f32
    %max3A = vector.broadcast %jit3A : f32 to vector<2000x1xf32>
    %max3A_46 = arith.maximumf %max3A, %slice3A : vector<2000x1xf32>
    %div3A = vector.broadcast %max3A_46 : vector<2000x1xf32> to vector<2000x128xf32>
    %div3A_47 = arith.divf %add3A_45, %div3A : vector<2000x128xf32>
    %swap3A = arith.constant 0 : index
    %swap3A_48 = arith.constant 0 : index
    %swap3A_49 = vector.load %arg4[%swap3A, %swap3A_48] : memref<2000x128xf32, #tpu.memory_space<vmem>>, vector<2000x128xf32>
    tpu.vector_store %arg4[%swap3A, %swap3A_48], %div3A_47 {strides = array<i32>} : memref<2000x128xf32, #tpu.memory_space<vmem>>, vector<2000x128xf32>,
    return
  }
  func.func @transform_0(%arg0: i32) -> (i32, i32, i32) {
    %c0_i32 = arith.constant 0 : i32
    %c0_i32_0 = arith.constant 0 : i32
    %c0_i32_1 = arith.constant 0 : i32
    return %c0_i32, %arg0, %c0_i32_0 : i32, i32, i32
  }
  func.func @transform_1(%arg0: i32) -> (i32, i32) {
    %c0_i32 = arith.constant 0 : i32
    %c0_i32_0 = arith.constant 0 : i32
    return %arg0, %c0_i32 : i32, i32
  }
  func.func @transform_2(%arg0: i32) -> (i32, i32) {
    %c0_i32 = arith.constant 0 : i32
    %c0_i32_0 = arith.constant 0 : i32
    return %arg0, %c0_i32 : i32, i32
  }
  func.func @transform_3(%arg0: i32) -> (i32, i32) {
    %c0_i32 = arith.constant 0 : i32
    %c0_i32_0 = arith.constant 0 : i32
    return %arg0, %c0_i32 : i32, i32
  }
}

</mosaic_0001>

<sc_bundles>
// kernel: kernel.5.cloned.1.call-start
scs
__scs_entry_jumppad:
0x0: {  	(pc) =	sbr.rel $0x88, $3  }
0x1: {  	(tag) =	ssettag $0x0;
	lr =	simm.s32 $0x1  }
0x2: {  	[smem:$0x3F9D] =	sst lr;
	_ =	strace $0xD0000000  }
0x3: {  	_ = 	snop  }
0x4: {  	_ = 	snop  }
0x5: {  	_ = 	snop  }
0x6: {  	_ = 	snop  }
0x7: {  	_ = 	snop  }
__scs_overlays_trampoline_lowered:
0x8: {  	[smem:$0x3FAC] =	sst s0  }
0x9: {  	[smem:$0x3FAD] =	sst s1  }
0xa: {  	[smem:$0x3FAE] =	sst s2  }
0xb: {  	[smem:$0x3FAF] =	sst s3  }
0xc: {  	[smem:$0x3FB0] =	sst s4  }
0xd: {  	[smem:$0x3FB1] =	sst s5  }
0xe: {  	[smem:$0x3FB2] =	sst s6  }
0xf: {  	[smem:$0x3FB3] =	sst s7  }
0x10: {  	[smem:$0x3FB4] =	sst s8  }
0x11: {  	[smem:$0x3FB5] =	sst s9;
	s0 =	simm.s32 @!p0 $0x0  }
0x12: {  	s1 =	sld [smem:$0x3F9B];
	s0 =	simm.s32 @p0 $0x1  }
0x13: {  	[smem:$0x3FB6] =	sst s0;
	s0 =	simm.s32 @!p1 $0x0  }
0x14: {  	s2 =	sld [smem:$0x3F9A];
	s0 =	simm.s32 @p1 $0x1  }
0x15: {  	[smem:$0x3FB7] =	sst s0;
	s0 =	simm.s32 @!p2 $0x0  }
0x16: {  	s3 =	sld [smem:$0x3FDB];
	s0 =	simm.s32 @p2 $0x1  }
0x17: {  	s4 =	simm.s32 $0x1BF5;
	[smem:$0x3FB9] =	sst s0  }
0x18: {  	s0 =	sld [smem:$0x3F9C];
	_ =	swait.ge [sflag:s4], $0x0  }
0x19: {  	s7 =	sld [smem:$0x3F9D]  }
0x1a: {  	s8 =	sadd.s32 $0xFFFFE003, lr  }
0x1b: {  	s9 =	sadd.s32 $0xFFFFFEF7, lr;
	s5 =	simm.s32 $0xFFFFFFFF;
	p2 =	slt.u32 s8, $0xFFFFF086  }
0x1c: {  	p1 =	slt.u32 s9, $0xF7A;
	s5 =	simm.s32 @!p2 $0x0  }
0x1d: {  	s5 =	simm.s32 @p1 $0x1;
	p0 =	seq.s32 s7, s2  }
0x1e: {  	s7 =	smul.u32 @!p0 $0xF7A, s2;
	p2 =	seq.s32 @!p0 s5, $0x0  }
0x1f: {  	s9 =	smul.u32 $0xF7A, s1;
	s8 =	simm.s32 @!p0 $0x1BF5;
	p2 =	por !p2, p0  }
0x20: {  	[sflag:s8] =	ssyncset.s32 @!p0 $0xFFFFF086;
	s6 =	sadd.s32 @!p0 s3, s7;
	s7 =	simm.s32 @!p0 $0x108  }
0x21: {  	s3 =	sadd.s32 s3, s9;
	s6 =	sadd.s32 @!p0 $0x88, s6;
	s7 =	simm.s32 @p2 $0x1082  }
0x22: {  	[simem:s7], [sflag:s8] =	dma.local @!p0 [hbm:s6], $0xF7A  }
0x23: {  	s9 =	sor.u32 $0xD0000000, s2;
	s6 =	simm.s32 $0x108;
	_ =	swait.ge @!p0 [sflag:s8], $0x0  }
0x24: {  	s3 =	sadd.s32 $0x88, s3;
	s6 =	simm.s32 @!p1 $0x1082;
	[sflag:s4] =	ssyncset.s32 $0xFFFFF086  }
0x25: {  	[simem:s6], [sflag:s4] =	dma.local [hbm:s3], $0xF7A  }
0x26: {  	[smem:$0x3F9D] =	sst s1;
	(tag) =	ssettag s2;
	_ =	strace s9  }
0x27: {  	s1 =	sld [smem:$0x3FAD]  }
0x28: {  	s2 =	sld [smem:$0x3FAE]  }
0x29: {  	s4 =	sld [smem:$0x3FB0]  }
0x2a: {  	p0 =	seq.s32 s5, $0x0;
	s5 =	sld [smem:$0x3FB1]  }
0x2b: {  	s6 =	sld [smem:$0x3FB2]  }
0x2c: {  	s7 =	sld [smem:$0x3FB3]  }
0x2d: {  	s3 =	simm.s32 $0x108;
	s8 =	sld [smem:$0x3FB4]  }
0x2e: {  	s3 =	simm.s32 @!p0 $0x1082;
	s9 =	sld [smem:$0x3FB5]  }
0x2f: {  	lr =	sadd.s32 s0, s3;
	s0 =	sld [smem:$0x3FAC]  }
0x30: {  	s3 =	sld [smem:$0x3FAF]  }
0x31: {  	[smem:$0x3FB8] =	sst s10  }
0x32: {  	s10 =	sld [smem:$0x3FB6];
	_ =	sdelay $0x3  }
0x33: {  	p0 =	seq.s32 s10, $0x1;
	s10 =	sld [smem:$0x3FB8];
	_ =	sdelay $0x3  }
0x34: {  	[smem:$0x3FB8] =	sst s10  }
0x35: {  	s10 =	sld [smem:$0x3FB7];
	_ =	sdelay $0x3  }
0x36: {  	p1 =	seq.s32 s10, $0x1;
	s10 =	sld [smem:$0x3FB8];
	_ =	sdelay $0x3  }
0x37: {  	[smem:$0x3FB8] =	sst s10  }
0x38: {  	s10 =	sld [smem:$0x3FB9]  }
0x39: {  	_ = 	snop;
	(pc) =	sbr.ind lr, $3  }
0x3a: {  	_ = 	snop  }
0x3b: {  	_ = 	snop  }
0x3c: {  	p2 =	seq.s32 s10, $0x1;
	s10 =	sld [smem:$0x3FB8]  }
0x3d: {  	_ =	shalt  }
0x3e: {  	_ =	shalt  }
0x3f: {  	_ =	shalt  }
0x40: {  	_ =	shalt  }
0x41: {  	_ =	shalt  }
0x42: {  	_ =	shalt  }
0x43: {  	_ =	shalt  }
0x44: {  	_ =	shalt  }
0x45: {  	_ =	shalt  }
0x46: {  	_ =	shalt  }
0x47: {  	_ =	shalt  }
0x48: {  	_ =	shalt  }
0x49: {  	_ =	shalt  }
0x4a: {  	_ =	shalt  }
0x4b: {  	_ =	shalt  }
0x4c: {  	_ =	shalt  }
0x4d: {  	_ =	shalt  }
0x4e: {  	_ =	shalt  }
0x4f: {  	_ =	shalt  }
0x50: {  	_ =	shalt  }
0x51: {  	_ =	shalt  }
0x52: {  	_ =	shalt  }
0x53: {  	_ =	shalt  }
0x54: {  	_ =	shalt  }
0x55: {  	_ =	shalt  }
0x56: {  	_ =	shalt  }
0x57: {  	_ =	shalt  }
0x58: {  	_ =	shalt  }
0x59: {  	_ =	shalt  }
0x5a: {  	_ =	shalt  }
0x5b: {  	_ =	shalt  }
0x5c: {  	_ =	shalt  }
0x5d: {  	_ =	shalt  }
0x5e: {  	_ =	shalt  }
0x5f: {  	_ =	shalt  }
0x60: {  	_ =	shalt  }
0x61: {  	_ =	shalt  }
0x62: {  	_ =	shalt  }
0x63: {  	_ =	shalt  }
0x64: {  	_ =	shalt  }
0x65: {  	_ =	shalt  }
0x66: {  	_ =	shalt  }
0x67: {  	_ =	shalt  }
0x68: {  	_ =	shalt  }
0x69: {  	_ =	shalt  }
0x6a: {  	_ =	shalt  }
0x6b: {  	_ =	shalt  }
0x6c: {  	_ =	shalt  }
0x6d: {  	_ =	shalt  }
0x6e: {  	_ =	shalt  }
0x6f: {  	_ =	shalt  }
0x70: {  	_ =	shalt  }
0x71: {  	_ =	shalt  }
0x72: {  	_ =	shalt  }
0x73: {  	_ =	shalt  }
0x74: {  	_ =	shalt  }
0x75: {  	_ =	shalt  }
0x76: {  	_ =	shalt  }
0x77: {  	_ =	shalt  }
0x78: {  	_ =	shalt  }
0x79: {  	_ =	shalt  }
0x7a: {  	_ =	shalt  }
0x7b: {  	_ =	shalt  }
0x7c: {  	_ =	shalt  }
0x7d: {  	_ =	shalt  }
0x7e: {  	_ =	shalt  }
0x7f: {  	_ =	shalt  }
0x80: {  	_ =	shalt  }
0x81: {  	_ =	shalt  }
0x82: {  	_ =	shalt  }
0x83: {  	_ =	shalt  }
0x84: {  	_ =	shalt  }
0x85: {  	_ =	shalt  }
0x86: {  	_ =	shalt  }
0x87: {  	_ =	shalt  }
.Lfunc_end0:
.L_simem_size_0:
called_computation_lowered:
.L_overlay_start_0:
0x88: {  	s2 =	sld [smem:$0x3FD9]  }
0x89: {  	s3 =	sld [smem:$0x3FFE];
	_ =	sdelay $0x1  }
0x8a: {  	s1 =	srdreg.scid  }
0x8b: {  	s0 =	sand.u32 $0x1, s1  }
0x8c: {  	s17 =	sshll.u32 s0, $0xA;
	s2 =	sadd.s32 s3, s2  }
0x8d: {  	s2 =	sadd.s32 s2, s17  }
0x8e: {  	[smem:$0x3FC4] =	sst s2  }
0x8f: {  	_ = 	snop  }
0x90: {  	s2 =	sld [smem:$0x3FD0];
	(tm) =	ssettm $0x1  }
0x91: {  	s18 =	sld [smem:$0x3FFB];
	_ =	sdelay $0x3  }
0x92: {  	_ =	strace s18  }
0x93: {  	s3 =	sld [smem:$0x3FFC];
	_ =	sdelay $0x3  }
0x94: {  	_ =	strace s3  }
0x95: {  	s3 =	sld [smem:$0x3FFD];
	_ =	sdelay $0x3  }
0x96: {  	_ =	strace s3  }
0x97: {  	_ =	strace $0x8FFFFFFF  }
0x98: {  	s19 =	sld [smem:$0x3FDB];
	_ =	sdelay $0x1  }
0x99: {  	s4 =	simm.s32 $_scs_section_size  }
0x9a: {  	s5 =	simm.s32 $_size__tile_overlayer_lowered;
	s6 =	simm.s32 $_tile_overlayer_lowered  }
0x9b: {  	s22 =	simm.s32 $0x1BFF;
	s21 =	sshll.u32 s6, $0x1;
	s3 =	sadd.s32 s4, s19  }
0x9c: {  	s7 =	simm.s32 $0x0;
	s20 =	sshll.u32 s5, $0x1;
	s5 =	sadd.s32 s21, s3  }
0x9d: {  	[timem:s7], [sflag:s22] =	dma.local [hbm:s5], s20  }
0x9e: {  	_ =	swait.ge [sflag:s22], s20  }
0x9f: {  	s4 =	ssub.s32 $0x0, s20;
	[sflag:s22] =	ssyncset.done $0x0  }
0xa0: {  	[sflag:s22] =	ssyncadd.s32 s4;
	_ =	sdelay $0x1  }
0xa1: {  	s23 =	simm.s32 $0x1B8B  }
0xa2: {  	_ =	swait.ge [sflag:s23], $0x1  }
0xa3: {  	[sflag:s23] =	ssyncset.done $0x0  }
0xa4: {  	s25 =	simm.s32 $0x1B8E;
	s24 =	sld [smem:$0x3FFE];
	[sflag:s23] =	ssyncadd.s32 $0xFFFFFFFF  }
0xa5: {  	s26 =	simm.s32 $execute0_lowered;
	[smem:$0x3FD2] =	sst s25  }
0xa6: {  	s5 =	sshll.u32 s26, $0x1;
	_ =	strace $0x80000046;
	[dreg:$0x1] =	wrdreg $0xFFFFFFFF  }
0xa7: {  	s28 =	simm.s32 $_size_execute0_lowered;
	s3 =	sadd.s32 s3, s5;
	[dreg:$0x0] =	wrdreg $0x0  }
0xa8: {  	s5 =	sshll.u32 s28, $0x1;
	[dreg:$0x2] =	wrdreg s3  }
0xa9: {  	[dreg:$0x3] =	wrdreg s5  }
0xaa: {  	[dreg:$0x4] =	wrdreg $0xC0  }
0xab: {  	_ =	task [dreg:s7], $0x5FFFF  }
0xac: {  	[dreg:$0x1] =	wrdreg $0xFFFFFFFF  }
0xad: {  	[dreg:$0x0] =	wrdreg $0x60  }
0xae: {  	[dreg:$0x2] =	wrdreg s24  }
0xaf: {  	[dreg:$0x3] =	wrdreg s2  }
0xb0: {  	[dreg:$0x4] =	wrdreg $0x9C800  }
0xb1: {  	[dreg:$0x5] =	wrdreg $0x0  }
0xb2: {  	[dreg:$0x6] =	wrdreg $0x9  }
0xb3: {  	_ =	task.clear_ibuf [dreg:s7], $0x7FFFF;
	_ =	strace $0x90000046  }
0xb4: {  	s29 =	simm.s32 $0x9;
	_ =	strace $0x80000048  }
0xb5: {  	_ =	swait.ge [sflag:s29], $0x1  }
0xb6: {  	[sflag:s29] =	ssyncadd.s32 $0xFFFFFFFF  }
0xb7: {  	_ =	strace $0x90000048  }
0xb8: {  	_ =	sfence  }
0xb9: {  	s30 =	sld [smem:$0x0];
	_ =	sdelay $0x2  }
0xba: {  	s31 =	sshll.u32 s1, $0xD;
	s1 =	sshrl.u32 s1, $0x2  }
0xbb: {  	s3 =	sand.u32 $0x4000, s31;
	s1 =	sadd.s32 s1, s30  }
0xbc: {  	s0 =	sor.u32 s3, s0;
	s1 =	sshll.u32 s1, $0x11  }
0xbd: {  	s0 =	sor.u32 s1, s0  }
0xbe: {  	s0 =	sadd.s32 $0x8F2B, s0  }
0xbf: {  	[sflag:s0] =	ssyncadd.remote.s32 $0x1  }
0xc0: {  	_ =	sfence.sel $0xFFFF  }
0xc1: {  	[dreg:$0x0] =	wrdreg $0xFFFFFFFF;
	(pc) =	sbr.abs _section_cstart, $3  }
0xc2: {  	[dreg:$0x1] =	wrdreg $0xFFFFFFFF  }
0xc3: {  	_ =	task.clear_ibuf [dreg:s7], $0x2FFFF;
	_ =	strace $0x9FFFFFFF  }
0xc4: {  	(tm) =	ssettm $0x7FFFFFFF  }
0xc5: {  	_ =	shalt  }
tec
execute0_lowered:
.L_overlay_start_1:
0x0: {  	(tag) =	ssettag $0x1  }
0x1: {  	s0 =	rddreg [dreg:$0x0]  }
0x2: {  	s16 =	rddreg [dreg:$0x1]  }
0x3: {  	s8 =	rddreg [dreg:$0x2]  }
0x4: {  	s2 =	rddreg [dreg:$0x3]  }
0x5: {  	s3 =	simm.s32 $0x0;
	s1 =	stileid.u32;
	s10 =	srdreg.scid  }
0x6: {  	s28 =	simm.s32 $0x1;
	s29 =	simm.s32 $0x0;
	[smem:$0x7FF] =	sst s3  }
0x7: {  	s4 =	sadd.s32 $0xEB600, s0;
	s9 =	smul.u32 $0x278, s1;
	s19 =	sadd.s32 $0xA00, s0  }
0x8: {  	s5 =	sadd.s32 $0x3CA00, s0;
	s6 =	sadd.s32 $0x3DE00, s0;
	s7 =	sadd.s32 $0x3E400, s0  }
0x9: {  	s13 =	sadd.s32 $0x3E600, s0;
	s25 =	sand.u32 $0x1, s10;
	s17 =	smul.u32 $0x5000, s1  }
0xa: {  	s24 =	sshll.u32 s1, $0x6;
	s21 =	smul.u32 $0xA00, s1;
	_ =	strace $0x80000047  }
0xb: {  	[dreg:$0x5] =	wrdreg s6;
	s10 =	ssub.s32 $0x2, s25;
	s14 =	smul.u32 $0x1D5800, s25  }
0xc: {  	s18 =	smul.u32 $0xF0000, s25;
	p0 =	sne.s32 s25, $0x0;
	s25 =	simm.s32 $0x80  }
0xd: {  	s9 =	smin.u32 s9, $0x24A8;
	s23 =	sshrl.u32 s10, $0x1;
	s16 =	sadd.s32 s21, s16  }
0xe: {  	s21 =	simm.s32 $0x2;
	s11 =	sshll.u32 s9, $0x1;
	s22 =	sshll.u32 s9, $0x6  }
0xf: {  	s15 =	ssub.s32 s10, s23;
	s9 =	sor.u32 $0x1C02, s24;
	s31 =	sadd.s32 s17, s18  }
0x10: {  	s23 =	simm.s32 $0xC3A0;
	s24 =	simm.s32 $0xC420;
	s0 =	sadd.s32 s11, s0  }
0x11: {  	s12 =	sshrl.u32 s22, $0x2;
	s26 =	sadd.s32 s14, s22;
	s10 =	sadd.s32 s22, s2  }
0x12: {  	s15 =	smax.u32 s15, $0x1;
	s17 =	sshrl.u32 s31, $0x3;
	s18 =	sadd.s32 $0x50000, s31  }
0x13: {  	s8 =	sadd.s32 s12, s8;
	s30 =	sshrl.u32 s26, $0x3;
	s14 =	sadd.s32 $0x9C800, s26  }
0x14: {  	s12 =	sadd.s32 $0x139000, s26;
	s17 =	sadd.s32 s17, s19;
	s18 =	sshrl.u32 s18, $0x3  }
0x15: {  	s26 =	simm.s32 $0xC4A0;
	s14 =	sshrl.u32 s14, $0x3;
	s20 =	sshrl.u32 s12, $0x3  }
0x16: {  	s12 =	sadd.s32 s13, s14;
	s14 =	sadd.s32 $0xB3C00, s0;
	s0 =	sadd.s32 $0xA0000, s31  }
0x17: {  	s11 =	sadd.s32 s13, s30;
	s18 =	sadd.s32 s18, s19;
	s0 =	sshrl.u32 s0, $0x3  }
0x18: {  	s13 =	sadd.s32 s13, s20;
	s20 =	sshrl.u32 s8, $0x3;
	s19 =	sadd.s32 s0, s19  }
.LBB2_1:
0x19: {  	s0 =	rddreg [dreg:$0x5]  }
0x1a: {  	[spmem:s20], [sflag:s9] =	dma.local [hbm:s0], $0x4F0  }
0x1b: {  	_ =	swait.ge [sflag:s21], $0x4F0  }
0x1c: {  	[sflag:s21] =	ssyncset.done $0x0  }
0x1d: {  	s1 =	simm.s32 $0xE4A0;
	[sflag:s21] =	ssyncadd.s32 $0xFFFFFB10  }
0x1e: {  	[tilespmem:s1], [sflag:$0x2] =	stream.linear.gather [hbm4b:s7+s3], $0x100, $0x38;
	[tilespmem:$0xE5A0] =	vst v63  }
0x1f: {  	_ =	swait.ge [sflag:s21], $0x100  }
0x20: {  	[sflag:s21] =	ssyncset.done $0x0  }
0x21: {  	s30 =	sshrl.u32 s10, $0x3;
	[sflag:s21] =	ssyncadd.s32 $0xFFFFFF00  }
0x22: {  	[spmem:s30], [sflag:s9] =	dma.local [hbm:s5], $0x13C0  }
0x23: {  	_ =	swait.ge [sflag:s21], $0x13C0  }
0x24: {  	[sflag:s21] =	ssyncset.done $0x0  }
0x25: {  	[sflag:s21] =	ssyncadd.s32 $0xFFFFEC40  }
0x26: {  	s6 =	sadd.s32 $0x0, s17;
	[bflag:$0x0] =	sbarrier.arrive $0xFFFF  }
0x27: {  	[tilespmem:s23], [sflag:$0x2] =	stream.linear.gather [hbm4b:s6+s3], $0x80, $0x38;
	[tilespmem:$0xE5A0] =	vst v63  }
0x28: {  	_ =	swait.ge [sflag:s21], $0x80  }
0x29: {  	[sflag:s21] =	ssyncset.done $0x0  }
0x2a: {  	s22 =	sadd.s32 $0x0, s16;
	[sflag:s21] =	ssyncadd.s32 $0xFFFFFF80  }
0x2b: {  	[tilespmem:s24], [sflag:$0x2] =	stream.linear.gather [hbm4b:s22+s3], $0x80, $0x38;
	[tilespmem:$0xE5A0] =	vst v63  }
0x2c: {  	_ =	swait.ge [sflag:s21], $0x80  }
0x2d: {  	[sflag:s21] =	ssyncset.done $0x0  }
0x2e: {  	[sflag:s21] =	ssyncadd.s32 $0xFFFFFF80  }
0x2f: {  	[tilespmem:s26], [sflag:$0x1] =	stream.indirect.gather [hbm4b:s4+s25], $0x40, s23, s25, $0xb8;
	[tilespmem:$0xE5A0] =	vst v63  }
0x30: {  	_ =	swait.ge [sflag:s28], $0x2000  }
0x31: {  	[sflag:s28] =	ssyncset.done $0x0  }
0x32: {  	[sflag:s28] =	ssyncadd.s32 $0xFFFFE000  }
0x33: {  	[spmem:s2] =	stream.linear.scatter [tilespmem:s26], [sflag:$0x2], $0x2000, $0x38;
	[tilespmem:$0xE5A0] =	vst v63  }
0x34: {  	_ =	swait.ge [sflag:s21], $0x2000  }
0x35: {  	s31 =	simm.s32 $0x10;
	s0 =	simm.s32 $0x20;
	[sflag:s21] =	ssyncset.done $0x0  }
.LBB2_2:
0x36: {  	s1 =	sadd.s32 s31, s17  }
0x37: {  	[sflag:s21] =	ssyncadd.s32 $0xFFFFE000;
	s22 =	smov.u32 s0;
	s6 =	sadd.s32 $0x10, s0  }
0x38: {  	[tilespmem:s23], [sflag:$0x2] =	stream.linear.gather [hbm4b:s1+s3], $0x80, $0x38;
	[tilespmem:$0xE5A0] =	vst v63  }
0x39: {  	p1 =	sne.s32 s0, $0x9F0;
	_ =	swait.ge [sflag:s21], $0x80  }
0x3a: {  	[sflag:s21] =	ssyncset.done $0x0  }
0x3b: {  	s0 =	sadd.s32 s31, s16;
	s31 =	smov.u32 s22;
	[sflag:s21] =	ssyncadd.s32 $0xFFFFFF80  }
0x3c: {  	[tilespmem:s24], [sflag:$0x2] =	stream.linear.gather [hbm4b:s0+s3], $0x80, $0x38;
	[tilespmem:$0xE5A0] =	vst v63  }
0x3d: {  	_ =	swait.ge [sflag:s21], $0x80  }
0x3e: {  	[sflag:s21] =	ssyncset.done $0x0  }
0x3f: {  	[sflag:s21] =	ssyncadd.s32 $0xFFFFFF80  }
0x40: {  	[tilespmem:s26], [sflag:$0x1] =	stream.indirect.gather [hbm4b:s4+s25], $0x40, s23, s25, $0xb8;
	[tilespmem:$0xE5A0] =	vst v63  }
0x41: {  	_ =	swait.ge [sflag:s28], $0x2000  }
.Ltmp0:
0x42: {  	[sflag:s28] =	ssyncset.done $0x0;
	(pc) =	sbr.rel @p1 .LBB2_2-.Ltmp0, $4  }
0x43: {  	[sflag:s28] =	ssyncadd.s32 $0xFFFFE000  }
0x44: {  	[spmem:s2] =	stream.linear.scatter [tilespmem:s26], [sflag:$0x2], $0x2000, $0x38;
	[tilespmem:$0xE5A0] =	vst v63  }
0x45: {  	_ =	swait.ge [sflag:s21], $0x2000  }
0x46: {  	s0 =	smov.u32 s6;
	[sflag:s21] =	ssyncset.done $0x0  }
0x47: {  	s0 =	sadd.s32 s31, s17;
	[sflag:s21] =	ssyncadd.s32 $0xFFFFE000  }
0x48: {  	[tilespmem:s23], [sflag:$0x2] =	stream.linear.gather [hbm4b:s0+s3], $0x80, $0x38;
	[tilespmem:$0xE5A0] =	vst v63  }
0x49: {  	_ =	swait.ge [sflag:s21], $0x80  }
0x4a: {  	[sflag:s21] =	ssyncset.done $0x0  }
0x4b: {  	s1 =	sadd.s32 s31, s16;
	[sflag:s21] =	ssyncadd.s32 $0xFFFFFF80  }
0x4c: {  	[tilespmem:s24], [sflag:$0x2] =	stream.linear.gather [hbm4b:s1+s3], $0x80, $0x38;
	[tilespmem:$0xE5A0] =	vst v63  }
0x4d: {  	_ =	swait.ge [sflag:s21], $0x80  }
0x4e: {  	[sflag:s21] =	ssyncset.done $0x0  }
0x4f: {  	[sflag:s21] =	ssyncadd.s32 $0xFFFFFF80  }
0x50: {  	[tilespmem:s26], [sflag:$0x1] =	stream.indirect.gather [hbm4b:s4+s25], $0x40, s23, s25, $0xb8;
	[tilespmem:$0xE5A0] =	vst v63  }
0x51: {  	_ =	swait.ge [sflag:s28], $0x2000  }
0x52: {  	[sflag:s28] =	ssyncset.done $0x0  }
0x53: {  	[sflag:s28] =	ssyncadd.s32 $0xFFFFE000  }
0x54: {  	[spmem:s2] =	stream.linear.scatter [tilespmem:s26], [sflag:$0x2], $0x2000, $0x38;
	[tilespmem:$0xE5A0] =	vst v63  }
0x55: {  	_ =	swait.ge [sflag:s21], $0x2000  }
0x56: {  	[sflag:s21] =	ssyncset.done $0x0  }
0x57: {  	[sflag:s21] =	ssyncadd.s32 $0xFFFFE000  }
0x58: {  	[bflag:$0x0] =	sbarrier.arrive $0xFFFF  }
0x59: {  	[hbm:s11], [sflag:s9] =	dma.local [spmem:s30], $0x13C0  }
0x5a: {  	_ =	swait.ge [sflag:s21], $0x13C0  }
0x5b: {  	[sflag:s21] =	ssyncset.done $0x0  }
0x5c: {  	[sflag:s21] =	ssyncadd.s32 $0xFFFFEC40  }
0x5d: {  	[bflag:$0x0] =	sbarrier.arrive $0xFFFF  }
0x5e: {  	[spmem:s30], [sflag:s9] =	dma.local [hbm:s5], $0x13C0  }
0x5f: {  	_ =	swait.ge [sflag:s21], $0x13C0  }
0x60: {  	[sflag:s21] =	ssyncset.done $0x0  }
0x61: {  	[sflag:s21] =	ssyncadd.s32 $0xFFFFEC40  }
0x62: {  	s6 =	sadd.s32 $0x0, s18;
	[bflag:$0x0] =	sbarrier.arrive $0xFFFF  }
0x63: {  	[tilespmem:s23], [sflag:$0x2] =	stream.linear.gather [hbm4b:s6+s3], $0x80, $0x38;
	[tilespmem:$0xE5A0] =	vst v63  }
0x64: {  	_ =	swait.ge [sflag:s21], $0x80  }
0x65: {  	[sflag:s21] =	ssyncset.done $0x0  }
0x66: {  	s22 =	sadd.s32 $0x0, s16;
	[sflag:s21] =	ssyncadd.s32 $0xFFFFFF80  }
0x67: {  	[tilespmem:s24], [sflag:$0x2] =	stream.linear.gather [hbm4b:s22+s3], $0x80, $0x38;
	[tilespmem:$0xE5A0] =	vst v63  }
0x68: {  	_ =	swait.ge [sflag:s21], $0x80  }
0x69: {  	[sflag:s21] =	ssyncset.done $0x0  }
0x6a: {  	[sflag:s21] =	ssyncadd.s32 $0xFFFFFF80  }
0x6b: {  	[tilespmem:s26], [sflag:$0x1] =	stream.indirect.gather [hbm4b:s4+s25], $0x40, s23, s25, $0xb8;
	[tilespmem:$0xE5A0] =	vst v63  }
0x6c: {  	_ =	swait.ge [sflag:s28], $0x2000  }
0x6d: {  	[sflag:s28] =	ssyncset.done $0x0  }
0x6e: {  	[sflag:s28] =	ssyncadd.s32 $0xFFFFE000  }
0x6f: {  	[spmem:s2] =	stream.linear.scatter [tilespmem:s26], [sflag:$0x2], $0x2000, $0x38;
	[tilespmem:$0xE5A0] =	vst v63  }
0x70: {  	_ =	swait.ge [sflag:s21], $0x2000  }
0x71: {  	s31 =	simm.s32 $0x10;
	s0 =	simm.s32 $0x20;
	[sflag:s21] =	ssyncset.done $0x0  }
.LBB2_4:
0x72: {  	s1 =	sadd.s32 s31, s18  }
0x73: {  	[sflag:s21] =	ssyncadd.s32 $0xFFFFE000;
	s6 =	smov.u32 s0;
	s22 =	sadd.s32 $0x10, s0  }
0x74: {  	[tilespmem:s23], [sflag:$0x2] =	stream.linear.gather [hbm4b:s1+s3], $0x80, $0x38;
	[tilespmem:$0xE5A0] =	vst v63  }
0x75: {  	p1 =	sne.s32 s0, $0x9F0;
	_ =	swait.ge [sflag:s21], $0x80  }
0x76: {  	[sflag:s21] =	ssyncset.done $0x0  }
0x77: {  	s0 =	sadd.s32 s31, s16;
	s31 =	smov.u32 s6;
	[sflag:s21] =	ssyncadd.s32 $0xFFFFFF80  }
0x78: {  	[tilespmem:s24], [sflag:$0x2] =	stream.linear.gather [hbm4b:s0+s3], $0x80, $0x38;
	[tilespmem:$0xE5A0] =	vst v63  }
0x79: {  	_ =	swait.ge [sflag:s21], $0x80  }
0x7a: {  	[sflag:s21] =	ssyncset.done $0x0  }
0x7b: {  	[sflag:s21] =	ssyncadd.s32 $0xFFFFFF80  }
0x7c: {  	[tilespmem:s26], [sflag:$0x1] =	stream.indirect.gather [hbm4b:s4+s25], $0x40, s23, s25, $0xb8;
	[tilespmem:$0xE5A0] =	vst v63  }
0x7d: {  	_ =	swait.ge [sflag:s28], $0x2000  }
.Ltmp1:
0x7e: {  	[sflag:s28] =	ssyncset.done $0x0;
	(pc) =	sbr.rel @p1 .LBB2_4-.Ltmp1, $4  }
0x7f: {  	[sflag:s28] =	ssyncadd.s32 $0xFFFFE000  }
0x80: {  	[spmem:s2] =	stream.linear.scatter [tilespmem:s26], [sflag:$0x2], $0x2000, $0x38;
	[tilespmem:$0xE5A0] =	vst v63  }
0x81: {  	_ =	swait.ge [sflag:s21], $0x2000  }
0x82: {  	s0 =	smov.u32 s22;
	[sflag:s21] =	ssyncset.done $0x0  }
0x83: {  	s0 =	sadd.s32 s31, s18;
	[sflag:s21] =	ssyncadd.s32 $0xFFFFE000  }
0x84: {  	[tilespmem:s23], [sflag:$0x2] =	stream.linear.gather [hbm4b:s0+s3], $0x80, $0x38;
	[tilespmem:$0xE5A0] =	vst v63  }
0x85: {  	_ =	swait.ge [sflag:s21], $0x80  }
0x86: {  	[sflag:s21] =	ssyncset.done $0x0  }
0x87: {  	s1 =	sadd.s32 s31, s16;
	[sflag:s21] =	ssyncadd.s32 $0xFFFFFF80  }
0x88: {  	[tilespmem:s24], [sflag:$0x2] =	stream.linear.gather [hbm4b:s1+s3], $0x80, $0x38;
	[tilespmem:$0xE5A0] =	vst v63  }
0x89: {  	_ =	swait.ge [sflag:s21], $0x80  }
0x8a: {  	[sflag:s21] =	ssyncset.done $0x0  }
0x8b: {  	[sflag:s21] =	ssyncadd.s32 $0xFFFFFF80  }
0x8c: {  	[tilespmem:s26], [sflag:$0x1] =	stream.indirect.gather [hbm4b:s4+s25], $0x40, s23, s25, $0xb8;
	[tilespmem:$0xE5A0] =	vst v63  }
0x8d: {  	_ =	swait.ge [sflag:s28], $0x2000  }
0x8e: {  	[sflag:s28] =	ssyncset.done $0x0  }
0x8f: {  	[sflag:s28] =	ssyncadd.s32 $0xFFFFE000  }
0x90: {  	[spmem:s2] =	stream.linear.scatter [tilespmem:s26], [sflag:$0x2], $0x2000, $0x38;
	[tilespmem:$0xE5A0] =	vst v63  }
0x91: {  	_ =	swait.ge [sflag:s21], $0x2000  }
0x92: {  	[sflag:s21] =	ssyncset.done $0x0  }
0x93: {  	[sflag:s21] =	ssyncadd.s32 $0xFFFFE000  }
0x94: {  	[bflag:$0x0] =	sbarrier.arrive $0xFFFF  }
0x95: {  	[hbm:s12], [sflag:s9] =	dma.local [spmem:s30], $0x13C0  }
0x96: {  	_ =	swait.ge [sflag:s21], $0x13C0  }
0x97: {  	[sflag:s21] =	ssyncset.done $0x0  }
0x98: {  	[sflag:s21] =	ssyncadd.s32 $0xFFFFEC40  }
0x99: {  	[bflag:$0x0] =	sbarrier.arrive $0xFFFF  }
0x9a: {  	[spmem:s30], [sflag:s9] =	dma.local [hbm:s5], $0x13C0  }
0x9b: {  	_ =	swait.ge [sflag:s21], $0x13C0  }
0x9c: {  	[sflag:s21] =	ssyncset.done $0x0  }
0x9d: {  	[sflag:s21] =	ssyncadd.s32 $0xFFFFEC40  }
0x9e: {  	s6 =	sadd.s32 $0x0, s19;
	[bflag:$0x0] =	sbarrier.arrive $0xFFFF  }
0x9f: {  	[tilespmem:s23], [sflag:$0x2] =	stream.linear.gather [hbm4b:s6+s3], $0x80, $0x38;
	[tilespmem:$0xE5A0] =	vst v63  }
0xa0: {  	_ =	swait.ge [sflag:s21], $0x80  }
0xa1: {  	[sflag:s21] =	ssyncset.done $0x0  }
0xa2: {  	s22 =	sadd.s32 $0x0, s16;
	[sflag:s21] =	ssyncadd.s32 $0xFFFFFF80  }
0xa3: {  	[tilespmem:s24], [sflag:$0x2] =	stream.linear.gather [hbm4b:s22+s3], $0x80, $0x38;
	[tilespmem:$0xE5A0] =	vst v63  }
0xa4: {  	_ =	swait.ge [sflag:s21], $0x80  }
0xa5: {  	[sflag:s21] =	ssyncset.done $0x0  }
0xa6: {  	[sflag:s21] =	ssyncadd.s32 $0xFFFFFF80  }
0xa7: {  	[tilespmem:s26], [sflag:$0x1] =	stream.indirect.gather [hbm4b:s4+s25], $0x40, s23, s25, $0xb8;
	[tilespmem:$0xE5A0] =	vst v63  }
0xa8: {  	_ =	swait.ge [sflag:s28], $0x2000  }
0xa9: {  	[sflag:s28] =	ssyncset.done $0x0  }
0xaa: {  	[sflag:s28] =	ssyncadd.s32 $0xFFFFE000  }
0xab: {  	[spmem:s2] =	stream.linear.scatter [tilespmem:s26], [sflag:$0x2], $0x2000, $0x38;
	[tilespmem:$0xE5A0] =	vst v63  }
0xac: {  	_ =	swait.ge [sflag:s21], $0x2000  }
0xad: {  	s31 =	simm.s32 $0x10;
	s0 =	simm.s32 $0x20;
	[sflag:s21] =	ssyncset.done $0x0  }
.LBB2_6:
0xae: {  	s1 =	sadd.s32 s31, s19  }
0xaf: {  	[sflag:s21] =	ssyncadd.s32 $0xFFFFE000;
	s6 =	smov.u32 s0;
	s22 =	sadd.s32 $0x10, s0  }
0xb0: {  	[tilespmem:s23], [sflag:$0x2] =	stream.linear.gather [hbm4b:s1+s3], $0x80, $0x38;
	[tilespmem:$0xE5A0] =	vst v63  }
0xb1: {  	p1 =	sne.s32 s0, $0x9F0;
	_ =	swait.ge [sflag:s21], $0x80  }
0xb2: {  	[sflag:s21] =	ssyncset.done $0x0  }
0xb3: {  	s0 =	sadd.s32 s31, s16;
	s31 =	smov.u32 s6;
	[sflag:s21] =	ssyncadd.s32 $0xFFFFFF80  }
0xb4: {  	[tilespmem:s24], [sflag:$0x2] =	stream.linear.gather [hbm4b:s0+s3], $0x80, $0x38;
	[tilespmem:$0xE5A0] =	vst v63  }
0xb5: {  	_ =	swait.ge [sflag:s21], $0x80  }
0xb6: {  	[sflag:s21] =	ssyncset.done $0x0  }
0xb7: {  	[sflag:s21] =	ssyncadd.s32 $0xFFFFFF80  }
0xb8: {  	[tilespmem:s26], [sflag:$0x1] =	stream.indirect.gather [hbm4b:s4+s25], $0x40, s23, s25, $0xb8;
	[tilespmem:$0xE5A0] =	vst v63  }
0xb9: {  	_ =	swait.ge [sflag:s28], $0x2000  }
.Ltmp2:
0xba: {  	[sflag:s28] =	ssyncset.done $0x0;
	(pc) =	sbr.rel @p1 .LBB2_6-.Ltmp2, $4  }
0xbb: {  	[sflag:s28] =	ssyncadd.s32 $0xFFFFE000  }
0xbc: {  	[spmem:s2] =	stream.linear.scatter [tilespmem:s26], [sflag:$0x2], $0x2000, $0x38;
	[tilespmem:$0xE5A0] =	vst v63  }
0xbd: {  	_ =	swait.ge [sflag:s21], $0x2000  }
0xbe: {  	s0 =	smov.u32 s22;
	[sflag:s21] =	ssyncset.done $0x0  }
0xbf: {  	s0 =	sadd.s32 s31, s19;
	[sflag:s21] =	ssyncadd.s32 $0xFFFFE000  }
0xc0: {  	[tilespmem:s23], [sflag:$0x2] =	stream.linear.gather [hbm4b:s0+s3], $0x80, $0x38;
	[tilespmem:$0xE5A0] =	vst v63  }
0xc1: {  	_ =	swait.ge [sflag:s21], $0x80  }
0xc2: {  	[sflag:s21] =	ssyncset.done $0x0  }
0xc3: {  	s31 =	sadd.s32 s31, s16;
	[sflag:s21] =	ssyncadd.s32 $0xFFFFFF80  }
0xc4: {  	[tilespmem:s24], [sflag:$0x2] =	stream.linear.gather [hbm4b:s31+s3], $0x80, $0x38;
	[tilespmem:$0xE5A0] =	vst v63  }
0xc5: {  	_ =	swait.ge [sflag:s21], $0x80  }
0xc6: {  	[sflag:s21] =	ssyncset.done $0x0  }
0xc7: {  	[sflag:s21] =	ssyncadd.s32 $0xFFFFFF80  }
0xc8: {  	[tilespmem:s26], [sflag:$0x1] =	stream.indirect.gather [hbm4b:s4+s25], $0x40, s23, s25, $0xb8;
	[tilespmem:$0xE5A0] =	vst v63  }
0xc9: {  	_ =	swait.ge [sflag:s28], $0x2000  }
0xca: {  	[sflag:s28] =	ssyncset.done $0x0  }
0xcb: {  	[sflag:s28] =	ssyncadd.s32 $0xFFFFE000  }
0xcc: {  	[spmem:s2] =	stream.linear.scatter [tilespmem:s26], [sflag:$0x2], $0x2000, $0x38;
	[tilespmem:$0xE5A0] =	vst v63  }
0xcd: {  	_ =	swait.ge [sflag:s21], $0x2000  }
0xce: {  	[sflag:s21] =	ssyncset.done $0x0  }
0xcf: {  	[sflag:s21] =	ssyncadd.s32 $0xFFFFE000  }
0xd0: {  	[bflag:$0x0] =	sbarrier.arrive $0xFFFF  }
0xd1: {  	[hbm:s13], [sflag:s9] =	dma.local [spmem:s30], $0x13C0  }
0xd2: {  	_ =	swait.ge [sflag:s21], $0x13C0  }
0xd3: {  	[sflag:s21] =	ssyncset.done $0x0  }
0xd4: {  	s29 =	sadd.s32 $0x1, s29;
	[sflag:s21] =	ssyncadd.s32 $0xFFFFEC40  }
0xd5: {  	s0 =	sshrl.u32 @!p0 s8, $0x3;
	p1 =	sne.s32 s29, s15;
	[bflag:$0x0] =	sbarrier.arrive $0xFFFF  }
0xd6: {  	[hbm:s14], [sflag:s9] =	dma.local @!p0 [spmem:s0], $0x4F0  }
.Ltmp3:
0xd7: {  	_ = 	snop;
	(pc) =	sbr.rel @p1 .LBB2_1-.Ltmp3, $4  }
0xd8: {  	s0 =	simm.s32 @!p0 $0x2  }
0xd9: {  	_ =	swait.ge @!p0 [sflag:s0], $0x4F0  }
0xda: {  	[sflag:s0] =	ssyncset.done @!p0 $0x0  }
0xdb: {  	[sflag:s0] =	ssyncadd.s32 @!p0 $0xFFFFFB10  }
0xdc: {  	_ =	sfence.sel $0x180000  }
0xdd: {  	[bflag:$0x0] =	sbarrier.arrive $0xFFFF  }
0xde: {  	_ =	strace $0x90000047  }
0xdf: {  	s0 =	stileid.u32;
	[bflag:$0x2] =	sbarrier.arrive $0xFFFF  }
0xe0: {  	p0 =	sne.s32 s0, $0x0;
	s0 =	rddreg [dreg:$0x4]  }
0xe1: {  	s0 =	sadd.s32 @!p0 $0x100000, s0  }
0xe2: {  	[sflag:s0] =	ssyncadd.tile.s32 @!p0 $0x1;
	_ =	shalt  }
.Lfunc_end2:
_tile_overlayer_lowered:
.L_overlay_start_2:
0xe3: {  	(tag) =	ssettag $0x2  }
0xe4: {  	s0 =	rddreg [dreg:$0x0];
	s2 =	stileid.u32  }
0xe5: {  	s1 =	rddreg [dreg:$0x1];
	p0 =	sne.s32 s2, $0x0  }
0xe6: {  	s3 =	rddreg [dreg:$0x2];
	[bflag:$0x3] =	sbarrier.arrive $0xFFFF;
	s2 =	simm.s32 @!p0 $0x1C02  }
0xe7: {  	[timem:s3], [sflag:s2] =	dma.local @!p0 [hbm:s0], s1  }
0xe8: {  	s0 =	simm.s32 @!p0 $0x2  }
0xe9: {  	_ =	swait.ge @!p0 [sflag:s0], s1  }
0xea: {  	s1 =	ssub.s32 @!p0 $0x0, s1;
	[sflag:s0] =	ssyncset.done @!p0 $0x0  }
0xeb: {  	[sflag:s0] =	ssyncadd.s32 @!p0 s1  }
0xec: {  	[bflag:$0x3] =	sbarrier.arrive $0xFFFF  }
0xed: {  	_ =	shalt  }

</sc_bundles>
